<compile_context>
chip_gen: v7x
topology: tpu7x:2x2x1
jax: 0.10.2.dev20260603
libtpu: 0.0.44.dev20260713+nightly
codegen_flags: <defaults>
</compile_context>

<pallas_src>
import functools

import jax
import jax.numpy as jnp
from jax import lax
from jax.experimental import pallas as pl
from jax.experimental.pallas import tpu as pltpu
from jax.experimental.pallas import tpu_sc as plsc

_N = 10000
_E = 320000
_D = 128
_DH = 256
_NC = 2
_NS = 16
_NW = _NC * _NS
_EPW = _E // _NW
_CH = 80
_NCHUNK = _EPW // _CH
_NPAD = 10240
_RPS = _NPAD // _NS
_RB = 1024
_NB = _NPAD // _RB

_mesh = plsc.VectorSubcoreMesh(
    core_axis_name="c", subcore_axis_name="s",
    num_cores=_NC, num_subcores=_NS)



@functools.partial(
    pl.kernel,
    out_type=jax.ShapeDtypeStruct((_NC, _NPAD), jnp.float32),
    mesh=_mesh,
    scratch_types=[
        pltpu.VMEM((_CH,), jnp.int32),
        pltpu.VMEM((_CH,), jnp.float32),
        pltpu.VMEM((_RPS,), jnp.float32),
        pltpu.VMEM_SHARED((_NPAD,), jnp.float32),
    ],
)
def _sc_degree(dst_hbm, deg_out, dst_v, ones_v, zbuf_v, deg_sh):
    c = lax.axis_index("c")
    s = lax.axis_index("s")
    wid = c * _NS + s

    def fill_z(i, carry):
        zbuf_v[pl.ds(i * 16, 16)] = jnp.zeros((16,), jnp.float32)
        return carry
    lax.fori_loop(0, _RPS // 16, fill_z, 0)

    def fill_o(i, carry):
        ones_v[pl.ds(i * 16, 16)] = jnp.ones((16,), jnp.float32)
        return carry
    lax.fori_loop(0, _CH // 16, fill_o, 0)

    pltpu.sync_copy(zbuf_v, deg_sh.at[pl.ds(s * _RPS, _RPS)])
    plsc.subcore_barrier()

    def step(i, carry):
        base = wid * _EPW + i * _CH
        pltpu.sync_copy(dst_hbm.at[pl.ds(base, _CH)], dst_v)
        pltpu.sync_copy(ones_v, deg_sh.at[dst_v], add=True)
        return carry
    lax.fori_loop(0, _NCHUNK, step, 0)

    plsc.subcore_barrier()
    pltpu.sync_copy(deg_sh.at[pl.ds(s * _RPS, _RPS)],
                    deg_out.at[c, pl.ds(s * _RPS, _RPS)])



@functools.partial(
    pl.kernel,
    out_type=jax.ShapeDtypeStruct((_NC, _NPAD, _D), jnp.float32),
    mesh=_mesh,
    scratch_types=[
        pltpu.VMEM((_CH,), jnp.int32),
        pltpu.VMEM((_CH,), jnp.int32),
        pltpu.VMEM((_CH, _D), jnp.float32),
        pltpu.VMEM_SHARED((_NPAD, _D), jnp.float32),
        pltpu.SemaphoreType.DMA,
    ],
)
def _sc_aggregate(table_hbm, src_hbm, dst_hbm, acc_out,
                  src_v, dst_v, rows_v, acc_sh, sem):
    c = lax.axis_index("c")
    s = lax.axis_index("s")
    wid = c * _NS + s

    def fill_zr(j, carry):
        def fill_zc(k, carry2):
            rows_v[j, pl.ds(k * 16, 16)] = jnp.zeros((16,), jnp.float32)
            return carry2
        lax.fori_loop(0, _D // 16, fill_zc, 0)
        return carry
    lax.fori_loop(0, _CH, fill_zr, 0)

    def zcp(k, carry):
        pltpu.sync_copy(rows_v, acc_sh.at[pl.ds(s * _RPS + k * _CH, _CH)])
        return carry
    lax.fori_loop(0, _RPS // _CH, zcp, 0)
    plsc.subcore_barrier()

    def step(i, carry):
        base = wid * _EPW + i * _CH
        pltpu.sync_copy(src_hbm.at[pl.ds(base, _CH)], src_v)
        pltpu.sync_copy(dst_hbm.at[pl.ds(base, _CH)], dst_v)
        pltpu.async_copy(table_hbm.at[src_v], rows_v, sem).wait()
        pltpu.sync_copy(rows_v, acc_sh.at[dst_v], add=True)
        return carry
    lax.fori_loop(0, _NCHUNK, step, 0)

    plsc.subcore_barrier()
    pltpu.sync_copy(acc_sh.at[pl.ds(s * _RPS, _RPS)],
                    acc_out.at[c, pl.ds(s * _RPS, _RPS)])



def _dinv_block(d0_ref, d1_ref):
    return lax.rsqrt(d0_ref[0, 0, :] + d1_ref[0, 0, :] + 1.0)[:, None]


def _prescale_body(x_ref, d0_ref, d1_ref, xs_ref):
    xs_ref[...] = x_ref[...] * _dinv_block(d0_ref, d1_ref)


def _mlp_body(a0_ref, a1_ref, xs_ref, d0_ref, d1_ref, w1_ref, b1_ref, w2_ref,
              ps2_ref):
    d = _dinv_block(d0_ref, d1_ref)
    g = (a0_ref[...] + a1_ref[...] + xs_ref[...]) * d
    h = jnp.maximum(
        jnp.dot(g, w1_ref[...], preferred_element_type=jnp.float32)
        + b1_ref[...], 0.0)
    ps2_ref[...] = jnp.dot(h, w2_ref[...],
                           preferred_element_type=jnp.float32) * d


def _final_body(a0_ref, a1_ref, ps2_ref, d0_ref, d1_ref, b2_ref, out_ref):
    d = _dinv_block(d0_ref, d1_ref)
    out_ref[...] = jnp.maximum(
        (a0_ref[...] + a1_ref[...] + ps2_ref[...]) * d + b2_ref[...], 0.0)


_row_spec = pl.BlockSpec((_RB, _D), lambda i: (i, 0))
_deg_spec = pl.BlockSpec((1, 1, _RB), lambda i: (i, 0, 0))


def _tc_prescale(x, d0, d1):
    return pl.pallas_call(
        _prescale_body,
        grid=(_NB,),
        in_specs=[_row_spec, _deg_spec, _deg_spec],
        out_specs=_row_spec,
        out_shape=jax.ShapeDtypeStruct((_N, _D), jnp.float32),
    )(x, d0, d1)


def _tc_mlp(a0, a1, xs, d0, d1, W1, b1, W2):
    return pl.pallas_call(
        _mlp_body,
        grid=(_NB,),
        in_specs=[
            _row_spec, _row_spec, _row_spec, _deg_spec, _deg_spec,
            pl.BlockSpec((_D, _DH), lambda i: (0, 0)),
            pl.BlockSpec((1, _DH), lambda i: (0, 0)),
            pl.BlockSpec((_DH, _D), lambda i: (0, 0)),
        ],
        out_specs=_row_spec,
        out_shape=jax.ShapeDtypeStruct((_N, _D), jnp.float32),
    )(a0, a1, xs, d0, d1, W1, b1, W2)


def _tc_final(a0, a1, ps2, d0, d1, b2):
    return pl.pallas_call(
        _final_body,
        grid=(_NB,),
        in_specs=[
            _row_spec, _row_spec, _row_spec, _deg_spec, _deg_spec,
            pl.BlockSpec((1, _D), lambda i: (0, 0)),
        ],
        out_specs=_row_spec,
        out_shape=jax.ShapeDtypeStruct((_N, _D), jnp.float32),
    )(a0, a1, ps2, d0, d1, b2)



def kernel(x, edge_index, W1, b1, W2, b2):
    src = edge_index[0].astype(jnp.int32)
    dst = edge_index[1].astype(jnp.int32)

    degp = _sc_degree(dst)
    d0 = degp[0].reshape(_NB, 1, _RB)
    d1 = degp[1].reshape(_NB, 1, _RB)

    xs = _tc_prescale(x, d0, d1)
    acc1 = _sc_aggregate(xs, src, dst)
    ps2 = _tc_mlp(acc1[0, :_N], acc1[1, :_N], xs, d0, d1, W1,
                  b1[None, :], W2)
    acc2 = _sc_aggregate(ps2, src, dst)
    return _tc_final(acc2[0, :_N], acc2[1, :_N], ps2, d0, d1, b2[None, :])

# --- scband reference (transcript-rebuilt; emitter-appended) ---
"""Pipeline reference for scband-model-773094114155 (READ-ONLY COPY).

The authoritative reference and input builder live on the scoring server;
editing this copy changes nothing except your own understanding.
"""

import jax, jax.numpy as jnp
import numpy as np

N = 10000
E = 320000
D_IN = 128
D_HID = 256  # 2 * out_channels
D_OUT = 128


def gcn_conv(x, src, dst, W, b, n_nodes):
    # x' = D^{-1/2} (A + I) D^{-1/2} X W + b  (PyG GCNConv with add_self_loops)
    h = x @ W
    loop = jnp.arange(n_nodes, dtype=src.dtype)
    src2 = jnp.concatenate([src, loop])
    dst2 = jnp.concatenate([dst, loop])
    ones = jnp.ones(src2.shape[0], dtype=h.dtype)
    deg = jax.ops.segment_sum(ones, dst2, num_segments=n_nodes)
    dinv = jnp.where(deg > 0, 1.0 / jnp.sqrt(deg), 0.0)
    norm = dinv[src2] * dinv[dst2]
    msg = h[src2] * norm[:, None]
    out = jax.ops.segment_sum(msg, dst2, num_segments=n_nodes)
    return out + b


def setup_inputs(seed: int = 0) -> dict:
    key = jax.random.key(seed)
    k1, k2, k3, k4, k5 = jax.random.split(key, 5)
    x = jax.random.normal(k1, (N, D_IN), dtype=jnp.float32)
    edge_index = jax.random.randint(k2, (2, E), 0, N, dtype=jnp.int64)
    s1 = 1.0 / np.sqrt(D_IN)
    s2 = 1.0 / np.sqrt(D_HID)
    W1 = jax.random.uniform(k3, (D_IN, D_HID), dtype=jnp.float32, minval=-s1, maxval=s1)
    b1 = jnp.zeros((D_HID,), dtype=jnp.float32)
    W2 = jax.random.uniform(k4, (D_HID, D_OUT), dtype=jnp.float32, minval=-s2, maxval=s2)
    b2 = jnp.zeros((D_OUT,), dtype=jnp.float32)
    return {"x": x, "edge_index": edge_index, "W1": W1, "b1": b1, "W2": W2, "b2": b2}


def reference(x, edge_index, W1, b1, W2, b2):
    src = edge_index[0]
    dst = edge_index[1]
    h = gcn_conv(x, src, dst, W1, b1, N)
    h = jax.nn.relu(h)
    out = gcn_conv(h, src, dst, W2, b2, N)
    out = jax.nn.relu(out)
    return out

if __name__ == "__main__":
    import jax
    _d = setup_inputs()
    print(jax.jit(kernel)(*tuple(_d.values())))

</pallas_src>

<mosaic_0001>
#map = affine_map<(d0, d1) -> (0, 0)>
#map1 = affine_map<(d0, d1) -> (0)>
#map2 = affine_map<(d0, d1) -> (0, 0, 0)>
module attributes {stable_mosaic.version = 14 : i64} {
  func.func @_sc_aggregate(%arg0: i32, %arg1: i32, %arg2: memref<10000x128xf32, #tpu.memory_space<hbm>>, %arg3: memref<320000xi32, #tpu.memory_space<hbm>>, %arg4: memref<320000xi32, #tpu.memory_space<hbm>>, %arg5: memref<2x10240x128xf32, #tpu.memory_space<hbm>>, %arg6: memref<80xi32, #tpu.memory_space<vmem>>, %arg7: memref<80xi32, #tpu.memory_space<vmem>>, %arg8: memref<80x128xf32, #tpu.memory_space<vmem>>, %arg9: memref<10240x128xf32, #tpu.memory_space<vmem_shared>>, %arg10: memref<!tpu.dma_semaphore, #tpu.memory_space<semaphore_mem>>) attributes {dimension_semantics = [#tpu.dimension_semantics<core_parallel>, #tpu.dimension_semantics<subcore_parallel>], iteration_bounds = array<i64: 2, 16>, scalar_prefetch = 0 : i64, scratch_operands = 5 : i64, tpu.core_type = #tpu.core_type<sc_vector_subcore>, window_params = [{transform_indices = #map}, {transform_indices = #map1}, {transform_indices = #map1}, {transform_indices = #map2}]} {
    %mul3A = arith.constant 16 : i32
    %mul3A_0 = arith.muli %arg0, %mul3A : i32
    %add3A = arith.addi %mul3A_0, %arg1 : i32
    %scan3A = arith.constant 0 : i32
    %scan3A_1 = arith.constant 0 : i32
    %scan3A_2 = arith.constant 80 : i32
    %scan3A_3 = arith.addi %scan3A_1, %scan3A_2 : i32
    %scan3A_4 = arith.constant 1 : i32
    scf.for %scan3A_23 = %scan3A_1 to %scan3A_3 step %scan3A_4  : i32 {
      %scan3A_24 = arith.constant 0 : i32
      %scan3A_25 = arith.constant 0 : i32
      %scan3A_26 = arith.constant 8 : i32
      %scan3A_27 = arith.addi %scan3A_25, %scan3A_26 : i32
      %scan3A_28 = arith.constant 1 : i32
      scf.for %scan3A_30 = %scan3A_25 to %scan3A_27 step %scan3A_28  : i32 {
        %broadcast_in_dim3A = arith.constant 0.000000e+00 : f32
        %broadcast_in_dim3A_31 = vector.broadcast %broadcast_in_dim3A : f32 to vector<16xf32>
        %mul3A_32 = arith.constant 16 : i32
        %mul3A_33 = arith.muli %scan3A_30, %mul3A_32 : i32
        %swap3A = arith.index_cast %scan3A_23 : i32 to index
        %swap3A_34 = arith.index_cast %mul3A_33 : i32 to index
        %swap3A_35 = tpu.vector_load %arg8[%swap3A, %swap3A_34] {strides = array<i32>} : memref<80x128xf32, #tpu.memory_space<vmem>>, vector<1x16xf32>,
        %swap3A_36 = vector.shape_cast %swap3A_35 : vector<1x16xf32> to vector<16xf32>
        %swap3A_37 = vector.shape_cast %broadcast_in_dim3A_31 : vector<16xf32> to vector<1x16xf32>
        tpu.vector_store %arg8[%swap3A, %swap3A_34], %swap3A_37 {strides = array<i32>} : memref<80x128xf32, #tpu.memory_space<vmem>>, vector<1x16xf32>,
      }
      %scan3A_29 = arith.constant 8 : i32
    }
    %scan3A_5 = arith.constant 80 : i32
    %scan3A_6 = arith.constant 0 : i32
    %scan3A_7 = arith.constant 0 : i32
    %scan3A_8 = arith.constant 8 : i32
    %scan3A_9 = arith.addi %scan3A_7, %scan3A_8 : i32
    %scan3A_10 = arith.constant 1 : i32
    scf.for %scan3A_23 = %scan3A_7 to %scan3A_9 step %scan3A_10  : i32 {
      %mul3A_24 = arith.constant 640 : i32
      %mul3A_25 = arith.muli %arg1, %mul3A_24 : i32
      %mul3A_26 = arith.constant 80 : i32
      %mul3A_27 = arith.muli %scan3A_23, %mul3A_26 : i32
      %add3A_28 = arith.addi %mul3A_25, %mul3A_27 : i32
      "tpu.region"() ({
        %run_scoped3A = tpu.sem_alloc : memref<!tpu.dma_semaphore, #tpu.memory_space<semaphore_mem>>
        %dma_start3A = arith.constant 0 : i32
        %dma_start3A_29 = tpu.memref_slice %arg9[%add3A_28, %dma_start3A] : memref<10240x128xf32, #tpu.memory_space<vmem_shared>> -> memref<80x128xf32, #tpu.memory_space<vmem_shared>>
        %dma_start3A_30 = arith.constant 0 : i32
        %dma_start3A_31 = tpu.memref_slice %arg9[%add3A_28, %dma_start3A_30] : memref<10240x128xf32, #tpu.memory_space<vmem_shared>> -> memref<80x128xf32, #tpu.memory_space<vmem_shared>>
        tpu.enqueue_dma source(%arg8 : memref<80x128xf32, #tpu.memory_space<vmem>>) target(%dma_start3A_31 : memref<80x128xf32, #tpu.memory_space<vmem_shared>>) target_semaphore(%run_scoped3A : memref<!tpu.dma_semaphore, #tpu.memory_space<semaphore_mem>>)
        %dma_wait3A = arith.constant 0 : i32
        %dma_wait3A_32 = tpu.memref_slice %arg9[%add3A_28, %dma_wait3A] : memref<10240x128xf32, #tpu.memory_space<vmem_shared>> -> memref<80x128xf32, #tpu.memory_space<vmem_shared>>
        %dma_wait3A_33 = arith.constant 0 : i32
        %dma_wait3A_34 = tpu.memref_slice %arg9[%add3A_28, %dma_wait3A_33] : memref<10240x128xf32, #tpu.memory_space<vmem_shared>> -> memref<80x128xf32, #tpu.memory_space<vmem_shared>>
        tpu.wait_dma2 semaphore(%run_scoped3A : memref<!tpu.dma_semaphore, #tpu.memory_space<semaphore_mem>>) src(%arg8 : memref<80x128xf32, #tpu.memory_space<vmem>>) dst(%dma_wait3A_34 : memref<80x128xf32, #tpu.memory_space<vmem_shared>>)
        tpu.yield
      }) : () -> ()
    }
    %scan3A_11 = arith.constant 8 : i32
    %barrier3A = arith.constant 0 : index
    tpu.barrier barrier_id(%barrier3A)
    %scan3A_12 = arith.constant 0 : i32
    %scan3A_13 = arith.constant 0 : i32
    %scan3A_14 = arith.constant 125 : i32
    %scan3A_15 = arith.addi %scan3A_13, %scan3A_14 : i32
    %scan3A_16 = arith.constant 1 : i32
    scf.for %scan3A_23 = %scan3A_13 to %scan3A_15 step %scan3A_16  : i32 {
      %mul3A_24 = arith.constant 10000 : i32
      %mul3A_25 = arith.muli %add3A, %mul3A_24 : i32
      %mul3A_26 = arith.constant 80 : i32
      %mul3A_27 = arith.muli %scan3A_23, %mul3A_26 : i32
      %add3A_28 = arith.addi %mul3A_25, %mul3A_27 : i32
      "tpu.region"() ({
        %run_scoped3A = tpu.sem_alloc : memref<!tpu.dma_semaphore, #tpu.memory_space<semaphore_mem>>
        %dma_start3A_33 = tpu.memref_slice %arg3[%add3A_28] : memref<320000xi32, #tpu.memory_space<hbm>> -> memref<80xi32, #tpu.memory_space<hbm>>
        %dma_start3A_34 = tpu.memref_slice %arg3[%add3A_28] : memref<320000xi32, #tpu.memory_space<hbm>> -> memref<80xi32, #tpu.memory_space<hbm>>
        tpu.enqueue_dma source(%dma_start3A_34 : memref<80xi32, #tpu.memory_space<hbm>>) target(%arg6 : memref<80xi32, #tpu.memory_space<vmem>>) target_semaphore(%run_scoped3A : memref<!tpu.dma_semaphore, #tpu.memory_space<semaphore_mem>>)
        %dma_wait3A_35 = tpu.memref_slice %arg3[%add3A_28] : memref<320000xi32, #tpu.memory_space<hbm>> -> memref<80xi32, #tpu.memory_space<hbm>>
        %dma_wait3A_36 = tpu.memref_slice %arg3[%add3A_28] : memref<320000xi32, #tpu.memory_space<hbm>> -> memref<80xi32, #tpu.memory_space<hbm>>
        tpu.wait_dma2 semaphore(%run_scoped3A : memref<!tpu.dma_semaphore, #tpu.memory_space<semaphore_mem>>) src(%dma_wait3A_36 : memref<80xi32, #tpu.memory_space<hbm>>) dst(%arg6 : memref<80xi32, #tpu.memory_space<vmem>>)
        tpu.yield
      }) : () -> ()
      "tpu.region"() ({
        %run_scoped3A = tpu.sem_alloc : memref<!tpu.dma_semaphore, #tpu.memory_space<semaphore_mem>>
        %dma_start3A_33 = tpu.memref_slice %arg4[%add3A_28] : memref<320000xi32, #tpu.memory_space<hbm>> -> memref<80xi32, #tpu.memory_space<hbm>>
        %dma_start3A_34 = tpu.memref_slice %arg4[%add3A_28] : memref<320000xi32, #tpu.memory_space<hbm>> -> memref<80xi32, #tpu.memory_space<hbm>>
        tpu.enqueue_dma source(%dma_start3A_34 : memref<80xi32, #tpu.memory_space<hbm>>) target(%arg7 : memref<80xi32, #tpu.memory_space<vmem>>) target_semaphore(%run_scoped3A : memref<!tpu.dma_semaphore, #tpu.memory_space<semaphore_mem>>)
        %dma_wait3A_35 = tpu.memref_slice %arg4[%add3A_28] : memref<320000xi32, #tpu.memory_space<hbm>> -> memref<80xi32, #tpu.memory_space<hbm>>
        %dma_wait3A_36 = tpu.memref_slice %arg4[%add3A_28] : memref<320000xi32, #tpu.memory_space<hbm>> -> memref<80xi32, #tpu.memory_space<hbm>>
        tpu.wait_dma2 semaphore(%run_scoped3A : memref<!tpu.dma_semaphore, #tpu.memory_space<semaphore_mem>>) src(%dma_wait3A_36 : memref<80xi32, #tpu.memory_space<hbm>>) dst(%arg7 : memref<80xi32, #tpu.memory_space<vmem>>)
        tpu.yield
      }) : () -> ()
      %dma_start3A = arith.constant 0 : i32
      %dma_start3A_29 = arith.constant 0 : i32
      %dma_start3A_30 = tpu.memref_slice %arg2[%dma_start3A, %dma_start3A_29] : memref<10000x128xf32, #tpu.memory_space<hbm>> -> memref<10000x128xf32, #tpu.memory_space<hbm>>
      tpu.enqueue_indirect_dma source(%dma_start3A_30 : memref<10000x128xf32, #tpu.memory_space<hbm>>) target(%arg8 : memref<80x128xf32, #tpu.memory_space<vmem>>) offsets(%arg6 : memref<80xi32, #tpu.memory_space<vmem>>) semaphore(%arg10 : memref<!tpu.dma_semaphore, #tpu.memory_space<semaphore_mem>>)
      %dma_wait3A = arith.constant 0 : i32
      %dma_wait3A_31 = arith.constant 0 : i32
      %dma_wait3A_32 = tpu.memref_slice %arg2[%dma_wait3A, %dma_wait3A_31] : memref<10000x128xf32, #tpu.memory_space<hbm>> -> memref<10000x128xf32, #tpu.memory_space<hbm>>
      tpu.wait_indirect_dma semaphore(%arg10 : memref<!tpu.dma_semaphore, #tpu.memory_space<semaphore_mem>>) src(%dma_wait3A_32 : memref<10000x128xf32, #tpu.memory_space<hbm>>) dst(%arg8 : memref<80x128xf32, #tpu.memory_space<vmem>>)
      "tpu.region"() ({
        %run_scoped3A = tpu.sem_alloc : memref<!tpu.dma_semaphore, #tpu.memory_space<semaphore_mem>>
        %dma_start3A_33 = arith.constant 0 : i32
        %dma_start3A_34 = arith.constant 0 : i32
        %dma_start3A_35 = tpu.memref_slice %arg9[%dma_start3A_33, %dma_start3A_34] : memref<10240x128xf32, #tpu.memory_space<vmem_shared>> -> memref<10240x128xf32, #tpu.memory_space<vmem_shared>>
        tpu.enqueue_indirect_dma source(%arg8 : memref<80x128xf32, #tpu.memory_space<vmem>>) target(%dma_start3A_35 : memref<10240x128xf32, #tpu.memory_space<vmem_shared>>) offsets(%arg7 : memref<80xi32, #tpu.memory_space<vmem>>) semaphore(%run_scoped3A : memref<!tpu.dma_semaphore, #tpu.memory_space<semaphore_mem>>) {add = true}
        %dma_wait3A_36 = arith.constant 0 : i32
        %dma_wait3A_37 = arith.constant 0 : i32
        %dma_wait3A_38 = tpu.memref_slice %arg9[%dma_wait3A_36, %dma_wait3A_37] : memref<10240x128xf32, #tpu.memory_space<vmem_shared>> -> memref<10240x128xf32, #tpu.memory_space<vmem_shared>>
        tpu.wait_indirect_dma semaphore(%run_scoped3A : memref<!tpu.dma_semaphore, #tpu.memory_space<semaphore_mem>>) src(%arg8 : memref<80x128xf32, #tpu.memory_space<vmem>>) dst(%dma_wait3A_38 : memref<10240x128xf32, #tpu.memory_space<vmem_shared>>)
        tpu.yield
      }) : () -> ()
    }
    %scan3A_17 = arith.constant 125 : i32
    %barrier3A_18 = arith.constant 0 : index
    tpu.barrier barrier_id(%barrier3A_18)
    %mul3A_19 = arith.constant 640 : i32
    %mul3A_20 = arith.muli %arg1, %mul3A_19 : i32
    %mul3A_21 = arith.constant 640 : i32
    %mul3A_22 = arith.muli %arg1, %mul3A_21 : i32
    "tpu.region"() ({
      %run_scoped3A = tpu.sem_alloc : memref<!tpu.dma_semaphore, #tpu.memory_space<semaphore_mem>>
      %dma_start3A = arith.constant 0 : i32
      %dma_start3A_23 = tpu.memref_slice %arg5[%arg0, %mul3A_22, %dma_start3A] : memref<2x10240x128xf32, #tpu.memory_space<hbm>> -> memref<1x640x128xf32, #tpu.memory_space<hbm>>
      %dma_start3A_24 = tpu.memref_squeeze %dma_start3A_23 : memref<1x640x128xf32, #tpu.memory_space<hbm>> -> memref<640x128xf32, #tpu.memory_space<hbm>>
      %dma_start3A_25 = arith.constant 0 : i32
      %dma_start3A_26 = tpu.memref_slice %arg9[%mul3A_20, %dma_start3A_25] : memref<10240x128xf32, #tpu.memory_space<vmem_shared>> -> memref<640x128xf32, #tpu.memory_space<vmem_shared>>
      tpu.enqueue_dma source(%dma_start3A_26 : memref<640x128xf32, #tpu.memory_space<vmem_shared>>) target(%dma_start3A_24 : memref<640x128xf32, #tpu.memory_space<hbm>>) target_semaphore(%run_scoped3A : memref<!tpu.dma_semaphore, #tpu.memory_space<semaphore_mem>>)
      %dma_wait3A = arith.constant 0 : i32
      %dma_wait3A_27 = tpu.memref_slice %arg5[%arg0, %mul3A_22, %dma_wait3A] : memref<2x10240x128xf32, #tpu.memory_space<hbm>> -> memref<1x640x128xf32, #tpu.memory_space<hbm>>
      %dma_wait3A_28 = tpu.memref_squeeze %dma_wait3A_27 : memref<1x640x128xf32, #tpu.memory_space<hbm>> -> memref<640x128xf32, #tpu.memory_space<hbm>>
      %dma_wait3A_29 = arith.constant 0 : i32
      %dma_wait3A_30 = tpu.memref_slice %arg9[%mul3A_20, %dma_wait3A_29] : memref<10240x128xf32, #tpu.memory_space<vmem_shared>> -> memref<640x128xf32, #tpu.memory_space<vmem_shared>>
      tpu.wait_dma2 semaphore(%run_scoped3A : memref<!tpu.dma_semaphore, #tpu.memory_space<semaphore_mem>>) src(%dma_wait3A_30 : memref<640x128xf32, #tpu.memory_space<vmem_shared>>) dst(%dma_wait3A_28 : memref<640x128xf32, #tpu.memory_space<hbm>>)
      tpu.yield
    }) : () -> ()
    return
  }
}

#map = affine_map<(d0, d1) -> (0, 0)>
#map1 = affine_map<(d0, d1) -> (0)>
#map2 = affine_map<(d0, d1) -> (0, 0, 0)>
module attributes {stable_mosaic.version = 14 : i64} {
  func.func @_sc_aggregate(%arg0: i32, %arg1: i32, %arg2: memref<10000x128xf32, #tpu.memory_space<hbm>>, %arg3: memref<320000xi32, #tpu.memory_space<hbm>>, %arg4: memref<320000xi32, #tpu.memory_space<hbm>>, %arg5: memref<2x10240x128xf32, #tpu.memory_space<hbm>>, %arg6: memref<80xi32, #tpu.memory_space<vmem>>, %arg7: memref<80xi32, #tpu.memory_space<vmem>>, %arg8: memref<80x128xf32, #tpu.memory_space<vmem>>, %arg9: memref<10240x128xf32, #tpu.memory_space<vmem_shared>>, %arg10: memref<!tpu.dma_semaphore, #tpu.memory_space<semaphore_mem>>) attributes {dimension_semantics = [#tpu.dimension_semantics<core_parallel>, #tpu.dimension_semantics<subcore_parallel>], iteration_bounds = array<i64: 2, 16>, scalar_prefetch = 0 : i64, scratch_operands = 5 : i64, tpu.core_type = #tpu.core_type<sc_vector_subcore>, window_params = [{transform_indices = #map}, {transform_indices = #map1}, {transform_indices = #map1}, {transform_indices = #map2}]} {
    %mul3A = arith.constant 16 : i32
    %mul3A_0 = arith.muli %arg0, %mul3A : i32
    %add3A = arith.addi %mul3A_0, %arg1 : i32
    %scan3A = arith.constant 0 : i32
    %scan3A_1 = arith.constant 0 : i32
    %scan3A_2 = arith.constant 80 : i32
    %scan3A_3 = arith.addi %scan3A_1, %scan3A_2 : i32
    %scan3A_4 = arith.constant 1 : i32
    scf.for %scan3A_23 = %scan3A_1 to %scan3A_3 step %scan3A_4  : i32 {
      %scan3A_24 = arith.constant 0 : i32
      %scan3A_25 = arith.constant 0 : i32
      %scan3A_26 = arith.constant 8 : i32
      %scan3A_27 = arith.addi %scan3A_25, %scan3A_26 : i32
      %scan3A_28 = arith.constant 1 : i32
      scf.for %scan3A_30 = %scan3A_25 to %scan3A_27 step %scan3A_28  : i32 {
        %broadcast_in_dim3A = arith.constant 0.000000e+00 : f32
        %broadcast_in_dim3A_31 = vector.broadcast %broadcast_in_dim3A : f32 to vector<16xf32>
        %mul3A_32 = arith.constant 16 : i32
        %mul3A_33 = arith.muli %scan3A_30, %mul3A_32 : i32
        %swap3A = arith.index_cast %scan3A_23 : i32 to index
        %swap3A_34 = arith.index_cast %mul3A_33 : i32 to index
        %swap3A_35 = tpu.vector_load %arg8[%swap3A, %swap3A_34] {strides = array<i32>} : memref<80x128xf32, #tpu.memory_space<vmem>>, vector<1x16xf32>,
        %swap3A_36 = vector.shape_cast %swap3A_35 : vector<1x16xf32> to vector<16xf32>
        %swap3A_37 = vector.shape_cast %broadcast_in_dim3A_31 : vector<16xf32> to vector<1x16xf32>
        tpu.vector_store %arg8[%swap3A, %swap3A_34], %swap3A_37 {strides = array<i32>} : memref<80x128xf32, #tpu.memory_space<vmem>>, vector<1x16xf32>,
      }
      %scan3A_29 = arith.constant 8 : i32
    }
    %scan3A_5 = arith.constant 80 : i32
    %scan3A_6 = arith.constant 0 : i32
    %scan3A_7 = arith.constant 0 : i32
    %scan3A_8 = arith.constant 8 : i32
    %scan3A_9 = arith.addi %scan3A_7, %scan3A_8 : i32
    %scan3A_10 = arith.constant 1 : i32
    scf.for %scan3A_23 = %scan3A_7 to %scan3A_9 step %scan3A_10  : i32 {
      %mul3A_24 = arith.constant 640 : i32
      %mul3A_25 = arith.muli %arg1, %mul3A_24 : i32
      %mul3A_26 = arith.constant 80 : i32
      %mul3A_27 = arith.muli %scan3A_23, %mul3A_26 : i32
      %add3A_28 = arith.addi %mul3A_25, %mul3A_27 : i32
      "tpu.region"() ({
        %run_scoped3A = tpu.sem_alloc : memref<!tpu.dma_semaphore, #tpu.memory_space<semaphore_mem>>
        %dma_start3A = arith.constant 0 : i32
        %dma_start3A_29 = tpu.memref_slice %arg9[%add3A_28, %dma_start3A] : memref<10240x128xf32, #tpu.memory_space<vmem_shared>> -> memref<80x128xf32, #tpu.memory_space<vmem_shared>>
        %dma_start3A_30 = arith.constant 0 : i32
        %dma_start3A_31 = tpu.memref_slice %arg9[%add3A_28, %dma_start3A_30] : memref<10240x128xf32, #tpu.memory_space<vmem_shared>> -> memref<80x128xf32, #tpu.memory_space<vmem_shared>>
        tpu.enqueue_dma source(%arg8 : memref<80x128xf32, #tpu.memory_space<vmem>>) target(%dma_start3A_31 : memref<80x128xf32, #tpu.memory_space<vmem_shared>>) target_semaphore(%run_scoped3A : memref<!tpu.dma_semaphore, #tpu.memory_space<semaphore_mem>>)
        %dma_wait3A = arith.constant 0 : i32
        %dma_wait3A_32 = tpu.memref_slice %arg9[%add3A_28, %dma_wait3A] : memref<10240x128xf32, #tpu.memory_space<vmem_shared>> -> memref<80x128xf32, #tpu.memory_space<vmem_shared>>
        %dma_wait3A_33 = arith.constant 0 : i32
        %dma_wait3A_34 = tpu.memref_slice %arg9[%add3A_28, %dma_wait3A_33] : memref<10240x128xf32, #tpu.memory_space<vmem_shared>> -> memref<80x128xf32, #tpu.memory_space<vmem_shared>>
        tpu.wait_dma2 semaphore(%run_scoped3A : memref<!tpu.dma_semaphore, #tpu.memory_space<semaphore_mem>>) src(%arg8 : memref<80x128xf32, #tpu.memory_space<vmem>>) dst(%dma_wait3A_34 : memref<80x128xf32, #tpu.memory_space<vmem_shared>>)
        tpu.yield
      }) : () -> ()
    }
    %scan3A_11 = arith.constant 8 : i32
    %barrier3A = arith.constant 0 : index
    tpu.barrier barrier_id(%barrier3A)
    %scan3A_12 = arith.constant 0 : i32
    %scan3A_13 = arith.constant 0 : i32
    %scan3A_14 = arith.constant 125 : i32
    %scan3A_15 = arith.addi %scan3A_13, %scan3A_14 : i32
    %scan3A_16 = arith.constant 1 : i32
    scf.for %scan3A_23 = %scan3A_13 to %scan3A_15 step %scan3A_16  : i32 {
      %mul3A_24 = arith.constant 10000 : i32
      %mul3A_25 = arith.muli %add3A, %mul3A_24 : i32
      %mul3A_26 = arith.constant 80 : i32
      %mul3A_27 = arith.muli %scan3A_23, %mul3A_26 : i32
      %add3A_28 = arith.addi %mul3A_25, %mul3A_27 : i32
      "tpu.region"() ({
        %run_scoped3A = tpu.sem_alloc : memref<!tpu.dma_semaphore, #tpu.memory_space<semaphore_mem>>
        %dma_start3A_33 = tpu.memref_slice %arg3[%add3A_28] : memref<320000xi32, #tpu.memory_space<hbm>> -> memref<80xi32, #tpu.memory_space<hbm>>
        %dma_start3A_34 = tpu.memref_slice %arg3[%add3A_28] : memref<320000xi32, #tpu.memory_space<hbm>> -> memref<80xi32, #tpu.memory_space<hbm>>
        tpu.enqueue_dma source(%dma_start3A_34 : memref<80xi32, #tpu.memory_space<hbm>>) target(%arg6 : memref<80xi32, #tpu.memory_space<vmem>>) target_semaphore(%run_scoped3A : memref<!tpu.dma_semaphore, #tpu.memory_space<semaphore_mem>>)
        %dma_wait3A_35 = tpu.memref_slice %arg3[%add3A_28] : memref<320000xi32, #tpu.memory_space<hbm>> -> memref<80xi32, #tpu.memory_space<hbm>>
        %dma_wait3A_36 = tpu.memref_slice %arg3[%add3A_28] : memref<320000xi32, #tpu.memory_space<hbm>> -> memref<80xi32, #tpu.memory_space<hbm>>
        tpu.wait_dma2 semaphore(%run_scoped3A : memref<!tpu.dma_semaphore, #tpu.memory_space<semaphore_mem>>) src(%dma_wait3A_36 : memref<80xi32, #tpu.memory_space<hbm>>) dst(%arg6 : memref<80xi32, #tpu.memory_space<vmem>>)
        tpu.yield
      }) : () -> ()
      "tpu.region"() ({
        %run_scoped3A = tpu.sem_alloc : memref<!tpu.dma_semaphore, #tpu.memory_space<semaphore_mem>>
        %dma_start3A_33 = tpu.memref_slice %arg4[%add3A_28] : memref<320000xi32, #tpu.memory_space<hbm>> -> memref<80xi32, #tpu.memory_space<hbm>>
        %dma_start3A_34 = tpu.memref_slice %arg4[%add3A_28] : memref<320000xi32, #tpu.memory_space<hbm>> -> memref<80xi32, #tpu.memory_space<hbm>>
        tpu.enqueue_dma source(%dma_start3A_34 : memref<80xi32, #tpu.memory_space<hbm>>) target(%arg7 : memref<80xi32, #tpu.memory_space<vmem>>) target_semaphore(%run_scoped3A : memref<!tpu.dma_semaphore, #tpu.memory_space<semaphore_mem>>)
        %dma_wait3A_35 = tpu.memref_slice %arg4[%add3A_28] : memref<320000xi32, #tpu.memory_space<hbm>> -> memref<80xi32, #tpu.memory_space<hbm>>
        %dma_wait3A_36 = tpu.memref_slice %arg4[%add3A_28] : memref<320000xi32, #tpu.memory_space<hbm>> -> memref<80xi32, #tpu.memory_space<hbm>>
        tpu.wait_dma2 semaphore(%run_scoped3A : memref<!tpu.dma_semaphore, #tpu.memory_space<semaphore_mem>>) src(%dma_wait3A_36 : memref<80xi32, #tpu.memory_space<hbm>>) dst(%arg7 : memref<80xi32, #tpu.memory_space<vmem>>)
        tpu.yield
      }) : () -> ()
      %dma_start3A = arith.constant 0 : i32
      %dma_start3A_29 = arith.constant 0 : i32
      %dma_start3A_30 = tpu.memref_slice %arg2[%dma_start3A, %dma_start3A_29] : memref<10000x128xf32, #tpu.memory_space<hbm>> -> memref<10000x128xf32, #tpu.memory_space<hbm>>
      tpu.enqueue_indirect_dma source(%dma_start3A_30 : memref<10000x128xf32, #tpu.memory_space<hbm>>) target(%arg8 : memref<80x128xf32, #tpu.memory_space<vmem>>) offsets(%arg6 : memref<80xi32, #tpu.memory_space<vmem>>) semaphore(%arg10 : memref<!tpu.dma_semaphore, #tpu.memory_space<semaphore_mem>>)
      %dma_wait3A = arith.constant 0 : i32
      %dma_wait3A_31 = arith.constant 0 : i32
      %dma_wait3A_32 = tpu.memref_slice %arg2[%dma_wait3A, %dma_wait3A_31] : memref<10000x128xf32, #tpu.memory_space<hbm>> -> memref<10000x128xf32, #tpu.memory_space<hbm>>
      tpu.wait_indirect_dma semaphore(%arg10 : memref<!tpu.dma_semaphore, #tpu.memory_space<semaphore_mem>>) src(%dma_wait3A_32 : memref<10000x128xf32, #tpu.memory_space<hbm>>) dst(%arg8 : memref<80x128xf32, #tpu.memory_space<vmem>>)
      "tpu.region"() ({
        %run_scoped3A = tpu.sem_alloc : memref<!tpu.dma_semaphore, #tpu.memory_space<semaphore_mem>>
        %dma_start3A_33 = arith.constant 0 : i32
        %dma_start3A_34 = arith.constant 0 : i32
        %dma_start3A_35 = tpu.memref_slice %arg9[%dma_start3A_33, %dma_start3A_34] : memref<10240x128xf32, #tpu.memory_space<vmem_shared>> -> memref<10240x128xf32, #tpu.memory_space<vmem_shared>>
        tpu.enqueue_indirect_dma source(%arg8 : memref<80x128xf32, #tpu.memory_space<vmem>>) target(%dma_start3A_35 : memref<10240x128xf32, #tpu.memory_space<vmem_shared>>) offsets(%arg7 : memref<80xi32, #tpu.memory_space<vmem>>) semaphore(%run_scoped3A : memref<!tpu.dma_semaphore, #tpu.memory_space<semaphore_mem>>) {add = true}
        %dma_wait3A_36 = arith.constant 0 : i32
        %dma_wait3A_37 = arith.constant 0 : i32
        %dma_wait3A_38 = tpu.memref_slice %arg9[%dma_wait3A_36, %dma_wait3A_37] : memref<10240x128xf32, #tpu.memory_space<vmem_shared>> -> memref<10240x128xf32, #tpu.memory_space<vmem_shared>>
        tpu.wait_indirect_dma semaphore(%run_scoped3A : memref<!tpu.dma_semaphore, #tpu.memory_space<semaphore_mem>>) src(%arg8 : memref<80x128xf32, #tpu.memory_space<vmem>>) dst(%dma_wait3A_38 : memref<10240x128xf32, #tpu.memory_space<vmem_shared>>)
        tpu.yield
      }) : () -> ()
    }
    %scan3A_17 = arith.constant 125 : i32
    %barrier3A_18 = arith.constant 0 : index
    tpu.barrier barrier_id(%barrier3A_18)
    %mul3A_19 = arith.constant 640 : i32
    %mul3A_20 = arith.muli %arg1, %mul3A_19 : i32
    %mul3A_21 = arith.constant 640 : i32
    %mul3A_22 = arith.muli %arg1, %mul3A_21 : i32
    "tpu.region"() ({
      %run_scoped3A = tpu.sem_alloc : memref<!tpu.dma_semaphore, #tpu.memory_space<semaphore_mem>>
      %dma_start3A = arith.constant 0 : i32
      %dma_start3A_23 = tpu.memref_slice %arg5[%arg0, %mul3A_22, %dma_start3A] : memref<2x10240x128xf32, #tpu.memory_space<hbm>> -> memref<1x640x128xf32, #tpu.memory_space<hbm>>
      %dma_start3A_24 = tpu.memref_squeeze %dma_start3A_23 : memref<1x640x128xf32, #tpu.memory_space<hbm>> -> memref<640x128xf32, #tpu.memory_space<hbm>>
      %dma_start3A_25 = arith.constant 0 : i32
      %dma_start3A_26 = tpu.memref_slice %arg9[%mul3A_20, %dma_start3A_25] : memref<10240x128xf32, #tpu.memory_space<vmem_shared>> -> memref<640x128xf32, #tpu.memory_space<vmem_shared>>
      tpu.enqueue_dma source(%dma_start3A_26 : memref<640x128xf32, #tpu.memory_space<vmem_shared>>) target(%dma_start3A_24 : memref<640x128xf32, #tpu.memory_space<hbm>>) target_semaphore(%run_scoped3A : memref<!tpu.dma_semaphore, #tpu.memory_space<semaphore_mem>>)
      %dma_wait3A = arith.constant 0 : i32
      %dma_wait3A_27 = tpu.memref_slice %arg5[%arg0, %mul3A_22, %dma_wait3A] : memref<2x10240x128xf32, #tpu.memory_space<hbm>> -> memref<1x640x128xf32, #tpu.memory_space<hbm>>
      %dma_wait3A_28 = tpu.memref_squeeze %dma_wait3A_27 : memref<1x640x128xf32, #tpu.memory_space<hbm>> -> memref<640x128xf32, #tpu.memory_space<hbm>>
      %dma_wait3A_29 = arith.constant 0 : i32
      %dma_wait3A_30 = tpu.memref_slice %arg9[%mul3A_20, %dma_wait3A_29] : memref<10240x128xf32, #tpu.memory_space<vmem_shared>> -> memref<640x128xf32, #tpu.memory_space<vmem_shared>>
      tpu.wait_dma2 semaphore(%run_scoped3A : memref<!tpu.dma_semaphore, #tpu.memory_space<semaphore_mem>>) src(%dma_wait3A_30 : memref<640x128xf32, #tpu.memory_space<vmem_shared>>) dst(%dma_wait3A_28 : memref<640x128xf32, #tpu.memory_space<hbm>>)
      tpu.yield
    }) : () -> ()
    return
  }
}

#map = affine_map<(d0, d1) -> (0)>
#map1 = affine_map<(d0, d1) -> (0, 0)>
module attributes {stable_mosaic.version = 14 : i64} {
  func.func @_sc_degree(%arg0: i32, %arg1: i32, %arg2: memref<320000xi32, #tpu.memory_space<hbm>>, %arg3: memref<2x10240xf32, #tpu.memory_space<hbm>>, %arg4: memref<80xi32, #tpu.memory_space<vmem>>, %arg5: memref<80xf32, #tpu.memory_space<vmem>>, %arg6: memref<640xf32, #tpu.memory_space<vmem>>, %arg7: memref<10240xf32, #tpu.memory_space<vmem_shared>>) attributes {dimension_semantics = [#tpu.dimension_semantics<core_parallel>, #tpu.dimension_semantics<subcore_parallel>], iteration_bounds = array<i64: 2, 16>, scalar_prefetch = 0 : i64, scratch_operands = 4 : i64, tpu.core_type = #tpu.core_type<sc_vector_subcore>, window_params = [{transform_indices = #map}, {transform_indices = #map1}]} {
    %mul3A = arith.constant 16 : i32
    %mul3A_0 = arith.muli %arg0, %mul3A : i32
    %add3A = arith.addi %mul3A_0, %arg1 : i32
    %scan3A = arith.constant 0 : i32
    %scan3A_1 = arith.constant 0 : i32
    %scan3A_2 = arith.constant 40 : i32
    %scan3A_3 = arith.addi %scan3A_1, %scan3A_2 : i32
    %scan3A_4 = arith.constant 1 : i32
    scf.for %scan3A_25 = %scan3A_1 to %scan3A_3 step %scan3A_4  : i32 {
      %broadcast_in_dim3A = arith.constant 0.000000e+00 : f32
      %broadcast_in_dim3A_26 = vector.broadcast %broadcast_in_dim3A : f32 to vector<16xf32>
      %mul3A_27 = arith.constant 16 : i32
      %mul3A_28 = arith.muli %scan3A_25, %mul3A_27 : i32
      %swap3A = arith.index_cast %mul3A_28 : i32 to index
      %swap3A_29 = tpu.vector_load %arg6[%swap3A] {strides = array<i32>} : memref<640xf32, #tpu.memory_space<vmem>>, vector<16xf32>,
      %swap3A_30 = vector.shape_cast %swap3A_29 : vector<16xf32> to vector<16xf32>
      %swap3A_31 = vector.shape_cast %broadcast_in_dim3A_26 : vector<16xf32> to vector<16xf32>
      tpu.vector_store %arg6[%swap3A], %swap3A_31 {strides = array<i32>} : memref<640xf32, #tpu.memory_space<vmem>>, vector<16xf32>,
    }
    %scan3A_5 = arith.constant 40 : i32
    %scan3A_6 = arith.constant 0 : i32
    %scan3A_7 = arith.constant 0 : i32
    %scan3A_8 = arith.constant 5 : i32
    %scan3A_9 = arith.addi %scan3A_7, %scan3A_8 : i32
    %scan3A_10 = arith.constant 1 : i32
    scf.for %scan3A_25 = %scan3A_7 to %scan3A_9 step %scan3A_10  : i32 {
      %broadcast_in_dim3A = arith.constant 1.000000e+00 : f32
      %broadcast_in_dim3A_26 = vector.broadcast %broadcast_in_dim3A : f32 to vector<16xf32>
      %mul3A_27 = arith.constant 16 : i32
      %mul3A_28 = arith.muli %scan3A_25, %mul3A_27 : i32
      %swap3A = arith.index_cast %mul3A_28 : i32 to index
      %swap3A_29 = tpu.vector_load %arg5[%swap3A] {strides = array<i32>} : memref<80xf32, #tpu.memory_space<vmem>>, vector<16xf32>,
      %swap3A_30 = vector.shape_cast %swap3A_29 : vector<16xf32> to vector<16xf32>
      %swap3A_31 = vector.shape_cast %broadcast_in_dim3A_26 : vector<16xf32> to vector<16xf32>
      tpu.vector_store %arg5[%swap3A], %swap3A_31 {strides = array<i32>} : memref<80xf32, #tpu.memory_space<vmem>>, vector<16xf32>,
    }
    %scan3A_11 = arith.constant 5 : i32
    %mul3A_12 = arith.constant 640 : i32
    %mul3A_13 = arith.muli %arg1, %mul3A_12 : i32
    "tpu.region"() ({
      %run_scoped3A = tpu.sem_alloc : memref<!tpu.dma_semaphore, #tpu.memory_space<semaphore_mem>>
      %dma_start3A = tpu.memref_slice %arg7[%mul3A_13] : memref<10240xf32, #tpu.memory_space<vmem_shared>> -> memref<640xf32, #tpu.memory_space<vmem_shared>>
      %dma_start3A_25 = tpu.memref_slice %arg7[%mul3A_13] : memref<10240xf32, #tpu.memory_space<vmem_shared>> -> memref<640xf32, #tpu.memory_space<vmem_shared>>
      tpu.enqueue_dma source(%arg6 : memref<640xf32, #tpu.memory_space<vmem>>) target(%dma_start3A_25 : memref<640xf32, #tpu.memory_space<vmem_shared>>) target_semaphore(%run_scoped3A : memref<!tpu.dma_semaphore, #tpu.memory_space<semaphore_mem>>)
      %dma_wait3A = tpu.memref_slice %arg7[%mul3A_13] : memref<10240xf32, #tpu.memory_space<vmem_shared>> -> memref<640xf32, #tpu.memory_space<vmem_shared>>
      %dma_wait3A_26 = tpu.memref_slice %arg7[%mul3A_13] : memref<10240xf32, #tpu.memory_space<vmem_shared>> -> memref<640xf32, #tpu.memory_space<vmem_shared>>
      tpu.wait_dma2 semaphore(%run_scoped3A : memref<!tpu.dma_semaphore, #tpu.memory_space<semaphore_mem>>) src(%arg6 : memref<640xf32, #tpu.memory_space<vmem>>) dst(%dma_wait3A_26 : memref<640xf32, #tpu.memory_space<vmem_shared>>)
      tpu.yield
    }) : () -> ()
    %barrier3A = arith.constant 0 : index
    tpu.barrier barrier_id(%barrier3A)
    %scan3A_14 = arith.constant 0 : i32
    %scan3A_15 = arith.constant 0 : i32
    %scan3A_16 = arith.constant 125 : i32
    %scan3A_17 = arith.addi %scan3A_15, %scan3A_16 : i32
    %scan3A_18 = arith.constant 1 : i32
    scf.for %scan3A_25 = %scan3A_15 to %scan3A_17 step %scan3A_18  : i32 {
      %mul3A_26 = arith.constant 10000 : i32
      %mul3A_27 = arith.muli %add3A, %mul3A_26 : i32
      %mul3A_28 = arith.constant 80 : i32
      %mul3A_29 = arith.muli %scan3A_25, %mul3A_28 : i32
      %add3A_30 = arith.addi %mul3A_27, %mul3A_29 : i32
      "tpu.region"() ({
        %run_scoped3A = tpu.sem_alloc : memref<!tpu.dma_semaphore, #tpu.memory_space<semaphore_mem>>
        %dma_start3A = tpu.memref_slice %arg2[%add3A_30] : memref<320000xi32, #tpu.memory_space<hbm>> -> memref<80xi32, #tpu.memory_space<hbm>>
        %dma_start3A_31 = tpu.memref_slice %arg2[%add3A_30] : memref<320000xi32, #tpu.memory_space<hbm>> -> memref<80xi32, #tpu.memory_space<hbm>>
        tpu.enqueue_dma source(%dma_start3A_31 : memref<80xi32, #tpu.memory_space<hbm>>) target(%arg4 : memref<80xi32, #tpu.memory_space<vmem>>) target_semaphore(%run_scoped3A : memref<!tpu.dma_semaphore, #tpu.memory_space<semaphore_mem>>)
        %dma_wait3A = tpu.memref_slice %arg2[%add3A_30] : memref<320000xi32, #tpu.memory_space<hbm>> -> memref<80xi32, #tpu.memory_space<hbm>>
        %dma_wait3A_32 = tpu.memref_slice %arg2[%add3A_30] : memref<320000xi32, #tpu.memory_space<hbm>> -> memref<80xi32, #tpu.memory_space<hbm>>
        tpu.wait_dma2 semaphore(%run_scoped3A : memref<!tpu.dma_semaphore, #tpu.memory_space<semaphore_mem>>) src(%dma_wait3A_32 : memref<80xi32, #tpu.memory_space<hbm>>) dst(%arg4 : memref<80xi32, #tpu.memory_space<vmem>>)
        tpu.yield
      }) : () -> ()
      "tpu.region"() ({
        %run_scoped3A = tpu.sem_alloc : memref<!tpu.dma_semaphore, #tpu.memory_space<semaphore_mem>>
        %dma_start3A = arith.constant 0 : i32
        %dma_start3A_31 = tpu.memref_slice %arg7[%dma_start3A] : memref<10240xf32, #tpu.memory_space<vmem_shared>> -> memref<10240xf32, #tpu.memory_space<vmem_shared>>
        tpu.enqueue_indirect_dma source(%arg5 : memref<80xf32, #tpu.memory_space<vmem>>) target(%dma_start3A_31 : memref<10240xf32, #tpu.memory_space<vmem_shared>>) offsets(%arg4 : memref<80xi32, #tpu.memory_space<vmem>>) semaphore(%run_scoped3A : memref<!tpu.dma_semaphore, #tpu.memory_space<semaphore_mem>>) {add = true}
        %dma_wait3A = arith.constant 0 : i32
        %dma_wait3A_32 = tpu.memref_slice %arg7[%dma_wait3A] : memref<10240xf32, #tpu.memory_space<vmem_shared>> -> memref<10240xf32, #tpu.memory_space<vmem_shared>>
        tpu.wait_indirect_dma semaphore(%run_scoped3A : memref<!tpu.dma_semaphore, #tpu.memory_space<semaphore_mem>>) src(%arg5 : memref<80xf32, #tpu.memory_space<vmem>>) dst(%dma_wait3A_32 : memref<10240xf32, #tpu.memory_space<vmem_shared>>)
        tpu.yield
      }) : () -> ()
    }
    %scan3A_19 = arith.constant 125 : i32
    %barrier3A_20 = arith.constant 0 : index
    tpu.barrier barrier_id(%barrier3A_20)
    %mul3A_21 = arith.constant 640 : i32
    %mul3A_22 = arith.muli %arg1, %mul3A_21 : i32
    %mul3A_23 = arith.constant 640 : i32
    %mul3A_24 = arith.muli %arg1, %mul3A_23 : i32
    "tpu.region"() ({
      %run_scoped3A = tpu.sem_alloc : memref<!tpu.dma_semaphore, #tpu.memory_space<semaphore_mem>>
      %dma_start3A = tpu.memref_slice %arg3[%arg0, %mul3A_24] : memref<2x10240xf32, #tpu.memory_space<hbm>> -> memref<1x640xf32, #tpu.memory_space<hbm>>
      %dma_start3A_25 = tpu.memref_squeeze %dma_start3A : memref<1x640xf32, #tpu.memory_space<hbm>> -> memref<640xf32, #tpu.memory_space<hbm>>
      %dma_start3A_26 = tpu.memref_slice %arg7[%mul3A_22] : memref<10240xf32, #tpu.memory_space<vmem_shared>> -> memref<640xf32, #tpu.memory_space<vmem_shared>>
      tpu.enqueue_dma source(%dma_start3A_26 : memref<640xf32, #tpu.memory_space<vmem_shared>>) target(%dma_start3A_25 : memref<640xf32, #tpu.memory_space<hbm>>) target_semaphore(%run_scoped3A : memref<!tpu.dma_semaphore, #tpu.memory_space<semaphore_mem>>)
      %dma_wait3A = tpu.memref_slice %arg3[%arg0, %mul3A_24] : memref<2x10240xf32, #tpu.memory_space<hbm>> -> memref<1x640xf32, #tpu.memory_space<hbm>>
      %dma_wait3A_27 = tpu.memref_squeeze %dma_wait3A : memref<1x640xf32, #tpu.memory_space<hbm>> -> memref<640xf32, #tpu.memory_space<hbm>>
      %dma_wait3A_28 = tpu.memref_slice %arg7[%mul3A_22] : memref<10240xf32, #tpu.memory_space<vmem_shared>> -> memref<640xf32, #tpu.memory_space<vmem_shared>>
      tpu.wait_dma2 semaphore(%run_scoped3A : memref<!tpu.dma_semaphore, #tpu.memory_space<semaphore_mem>>) src(%dma_wait3A_28 : memref<640xf32, #tpu.memory_space<vmem_shared>>) dst(%dma_wait3A_27 : memref<640xf32, #tpu.memory_space<hbm>>)
      tpu.yield
    }) : () -> ()
    return
  }
}

module attributes {stable_mosaic.version = 14 : i64} {
  func.func @_prescale_body(%arg0: i32, %arg1: memref<1024x128xf32, #tpu.memory_space<vmem>>, %arg2: memref<1x1x1024xf32, #tpu.memory_space<vmem>>, %arg3: memref<1x1x1024xf32, #tpu.memory_space<vmem>>, %arg4: memref<1024x128xf32, #tpu.memory_space<vmem>>) attributes {dimension_semantics = [#tpu.dimension_semantics<arbitrary>], iteration_bounds = array<i64: 10>, scalar_prefetch = 0 : i64, scratch_operands = 0 : i64, tpu.core_type = #tpu.core_type<tc>, window_params = [{transform_indices = @transform_0, window_bounds = array<i64: 1024, 128>}, {transform_indices = @transform_1, window_bounds = array<i64: 1, 1, 1024>}, {transform_indices = @transform_2, window_bounds = array<i64: 1, 1, 1024>}, {transform_indices = @transform_3, window_bounds = array<i64: 1024, 128>}]} {
    %get3A = arith.constant 0 : index
    %get3A_0 = arith.constant 0 : index
    %get3A_1 = vector.load %arg1[%get3A, %get3A_0] : memref<1024x128xf32, #tpu.memory_space<vmem>>, vector<1024x128xf32>
    %get3A_2 = arith.constant 0 : index
    %get3A_3 = arith.constant 0 : index
    %get3A_4 = arith.constant 0 : index
    %get3A_5 = vector.load %arg2[%get3A_2, %get3A_3, %get3A_4] : memref<1x1x1024xf32, #tpu.memory_space<vmem>>, vector<1x1x1024xf32>
    %get3A_6 = vector.shape_cast %get3A_5 : vector<1x1x1024xf32> to vector<1024xf32>
    %get3A_7 = arith.constant 0 : index
    %get3A_8 = arith.constant 0 : index
    %get3A_9 = arith.constant 0 : index
    %get3A_10 = vector.load %arg3[%get3A_7, %get3A_8, %get3A_9] : memref<1x1x1024xf32, #tpu.memory_space<vmem>>, vector<1x1x1024xf32>
    %get3A_11 = vector.shape_cast %get3A_10 : vector<1x1x1024xf32> to vector<1024xf32>
    %add3A = arith.addf %get3A_6, %get3A_11 : vector<1024xf32>
    %add3A_12 = arith.constant 1.000000e+00 : f32
    %add3A_13 = vector.broadcast %add3A_12 : f32 to vector<1024xf32>
    %add3A_14 = arith.addf %add3A, %add3A_13 : vector<1024xf32>
    %rsqrt3A = math.rsqrt %add3A_14 : vector<1024xf32>
    %broadcast_in_dim3A = vector.shape_cast %rsqrt3A : vector<1024xf32> to vector<1024x1xf32>
    %mul3A = vector.broadcast %broadcast_in_dim3A : vector<1024x1xf32> to vector<1024x128xf32>
    %mul3A_15 = arith.mulf %get3A_1, %mul3A : vector<1024x128xf32>
    %swap3A = arith.constant 0 : index
    %swap3A_16 = arith.constant 0 : index
    %swap3A_17 = vector.load %arg4[%swap3A, %swap3A_16] : memref<1024x128xf32, #tpu.memory_space<vmem>>, vector<1024x128xf32>
    tpu.vector_store %arg4[%swap3A, %swap3A_16], %mul3A_15 {strides = array<i32>} : memref<1024x128xf32, #tpu.memory_space<vmem>>, vector<1024x128xf32>,
    return
  }
  func.func @transform_0(%arg0: i32) -> (i32, i32) {
    %c0_i32 = arith.constant 0 : i32
    %c0_i32_0 = arith.constant 0 : i32
    return %arg0, %c0_i32 : i32, i32
  }
  func.func @transform_1(%arg0: i32) -> (i32, i32, i32) {
    %c0_i32 = arith.constant 0 : i32
    %c0_i32_0 = arith.constant 0 : i32
    %c0_i32_1 = arith.constant 0 : i32
    return %arg0, %c0_i32, %c0_i32_0 : i32, i32, i32
  }
  func.func @transform_2(%arg0: i32) -> (i32, i32, i32) {
    %c0_i32 = arith.constant 0 : i32
    %c0_i32_0 = arith.constant 0 : i32
    %c0_i32_1 = arith.constant 0 : i32
    return %arg0, %c0_i32, %c0_i32_0 : i32, i32, i32
  }
  func.func @transform_3(%arg0: i32) -> (i32, i32) {
    %c0_i32 = arith.constant 0 : i32
    %c0_i32_0 = arith.constant 0 : i32
    return %arg0, %c0_i32 : i32, i32
  }
}

module attributes {stable_mosaic.version = 14 : i64} {
  func.func @_mlp_body(%arg0: i32, %arg1: memref<1024x128xf32, #tpu.memory_space<vmem>>, %arg2: memref<1024x128xf32, #tpu.memory_space<vmem>>, %arg3: memref<1024x128xf32, #tpu.memory_space<vmem>>, %arg4: memref<1x1x1024xf32, #tpu.memory_space<vmem>>, %arg5: memref<1x1x1024xf32, #tpu.memory_space<vmem>>, %arg6: memref<128x256xf32, #tpu.memory_space<vmem>>, %arg7: memref<1x256xf32, #tpu.memory_space<vmem>>, %arg8: memref<256x128xf32, #tpu.memory_space<vmem>>, %arg9: memref<1024x128xf32, #tpu.memory_space<vmem>>) attributes {dimension_semantics = [#tpu.dimension_semantics<arbitrary>], iteration_bounds = array<i64: 10>, scalar_prefetch = 0 : i64, scratch_operands = 0 : i64, tpu.core_type = #tpu.core_type<tc>, window_params = [{transform_indices = @transform_0, window_bounds = array<i64: 1024, 128>}, {transform_indices = @transform_1, window_bounds = array<i64: 1024, 128>}, {transform_indices = @transform_2, window_bounds = array<i64: 1024, 128>}, {transform_indices = @transform_3, window_bounds = array<i64: 1, 1, 1024>}, {transform_indices = @transform_4, window_bounds = array<i64: 1, 1, 1024>}, {pipeline_mode = #tpu.pipeline_mode<synchronous>, transform_indices = @transform_5, window_bounds = array<i64: 128, 256>}, {pipeline_mode = #tpu.pipeline_mode<synchronous>, transform_indices = @transform_6, window_bounds = array<i64: 1, 256>}, {pipeline_mode = #tpu.pipeline_mode<synchronous>, transform_indices = @transform_7, window_bounds = array<i64: 256, 128>}, {transform_indices = @transform_8, window_bounds = array<i64: 1024, 128>}]} {
    %get3A = arith.constant 0 : index
    %get3A_0 = arith.constant 0 : index
    %get3A_1 = arith.constant 0 : index
    %get3A_2 = vector.load %arg4[%get3A, %get3A_0, %get3A_1] : memref<1x1x1024xf32, #tpu.memory_space<vmem>>, vector<1x1x1024xf32>
    %get3A_3 = vector.shape_cast %get3A_2 : vector<1x1x1024xf32> to vector<1024xf32>
    %get3A_4 = arith.constant 0 : index
    %get3A_5 = arith.constant 0 : index
    %get3A_6 = arith.constant 0 : index
    %get3A_7 = vector.load %arg5[%get3A_4, %get3A_5, %get3A_6] : memref<1x1x1024xf32, #tpu.memory_space<vmem>>, vector<1x1x1024xf32>
    %get3A_8 = vector.shape_cast %get3A_7 : vector<1x1x1024xf32> to vector<1024xf32>
    %add3A = arith.addf %get3A_3, %get3A_8 : vector<1024xf32>
    %add3A_9 = arith.constant 1.000000e+00 : f32
    %add3A_10 = vector.broadcast %add3A_9 : f32 to vector<1024xf32>
    %add3A_11 = arith.addf %add3A, %add3A_10 : vector<1024xf32>
    %rsqrt3A = math.rsqrt %add3A_11 : vector<1024xf32>
    %broadcast_in_dim3A = vector.shape_cast %rsqrt3A : vector<1024xf32> to vector<1024x1xf32>
    %get3A_12 = arith.constant 0 : index
    %get3A_13 = arith.constant 0 : index
    %get3A_14 = vector.load %arg1[%get3A_12, %get3A_13] : memref<1024x128xf32, #tpu.memory_space<vmem>>, vector<1024x128xf32>
    %get3A_15 = arith.constant 0 : index
    %get3A_16 = arith.constant 0 : index
    %get3A_17 = vector.load %arg2[%get3A_15, %get3A_16] : memref<1024x128xf32, #tpu.memory_space<vmem>>, vector<1024x128xf32>
    %add3A_18 = arith.addf %get3A_14, %get3A_17 : vector<1024x128xf32>
    %get3A_19 = arith.constant 0 : index
    %get3A_20 = arith.constant 0 : index
    %get3A_21 = vector.load %arg3[%get3A_19, %get3A_20] : memref<1024x128xf32, #tpu.memory_space<vmem>>, vector<1024x128xf32>
    %add3A_22 = arith.addf %add3A_18, %get3A_21 : vector<1024x128xf32>
    %mul3A = vector.broadcast %broadcast_in_dim3A : vector<1024x1xf32> to vector<1024x128xf32>
    %mul3A_23 = arith.mulf %add3A_22, %mul3A : vector<1024x128xf32>
    %get3A_24 = arith.constant 0 : index
    %get3A_25 = arith.constant 0 : index
    %get3A_26 = vector.load %arg6[%get3A_24, %get3A_25] : memref<128x256xf32, #tpu.memory_space<vmem>>, vector<128x256xf32>
    %dot_general3A = arith.constant dense<0.000000e+00> : vector<1024x256xf32>
    %dot_general3A_27 = tpu.matmul %mul3A_23, %get3A_26, %dot_general3A {dimension_numbers = #tpu.dot_dimension_numbers<[1], [0], [0], [1], [0, 0, 1, 1], [], []>, transpose_lhs_hint = false} : vector<1024x128xf32>, vector<128x256xf32>, vector<1024x256xf32> -> vector<1024x256xf32>
    %get3A_28 = arith.constant 0 : index
    %get3A_29 = arith.constant 0 : index
    %get3A_30 = vector.load %arg7[%get3A_28, %get3A_29] : memref<1x256xf32, #tpu.memory_space<vmem>>, vector<1x256xf32>
    %add3A_31 = vector.broadcast %get3A_30 : vector<1x256xf32> to vector<1024x256xf32>
    %add3A_32 = arith.addf %dot_general3A_27, %add3A_31 : vector<1024x256xf32>
    %max3A = arith.constant 0.000000e+00 : f32
    %max3A_33 = vector.broadcast %max3A : f32 to vector<1024x256xf32>
    %max3A_34 = arith.maximumf %add3A_32, %max3A_33 : vector<1024x256xf32>
    %get3A_35 = arith.constant 0 : index
    %get3A_36 = arith.constant 0 : index
    %get3A_37 = vector.load %arg8[%get3A_35, %get3A_36] : memref<256x128xf32, #tpu.memory_space<vmem>>, vector<256x128xf32>
    %dot_general3A_38 = arith.constant dense<0.000000e+00> : vector<1024x128xf32>
    %dot_general3A_39 = tpu.matmul %max3A_34, %get3A_37, %dot_general3A_38 {dimension_numbers = #tpu.dot_dimension_numbers<[1], [0], [0], [1], [0, 0, 1, 1], [], []>, transpose_lhs_hint = false} : vector<1024x256xf32>, vector<256x128xf32>, vector<1024x128xf32> -> vector<1024x128xf32>
    %mul3A_40 = vector.broadcast %broadcast_in_dim3A : vector<1024x1xf32> to vector<1024x128xf32>
    %mul3A_41 = arith.mulf %dot_general3A_39, %mul3A_40 : vector<1024x128xf32>
    %swap3A = arith.constant 0 : index
    %swap3A_42 = arith.constant 0 : index
    %swap3A_43 = vector.load %arg9[%swap3A, %swap3A_42] : memref<1024x128xf32, #tpu.memory_space<vmem>>, vector<1024x128xf32>
    tpu.vector_store %arg9[%swap3A, %swap3A_42], %mul3A_41 {strides = array<i32>} : memref<1024x128xf32, #tpu.memory_space<vmem>>, vector<1024x128xf32>,
    return
  }
  func.func @transform_0(%arg0: i32) -> (i32, i32) {
    %c0_i32 = arith.constant 0 : i32
    %c0_i32_0 = arith.constant 0 : i32
    return %arg0, %c0_i32 : i32, i32
  }
  func.func @transform_1(%arg0: i32) -> (i32, i32) {
    %c0_i32 = arith.constant 0 : i32
    %c0_i32_0 = arith.constant 0 : i32
    return %arg0, %c0_i32 : i32, i32
  }
  func.func @transform_2(%arg0: i32) -> (i32, i32) {
    %c0_i32 = arith.constant 0 : i32
    %c0_i32_0 = arith.constant 0 : i32
    return %arg0, %c0_i32 : i32, i32
  }
  func.func @transform_3(%arg0: i32) -> (i32, i32, i32) {
    %c0_i32 = arith.constant 0 : i32
    %c0_i32_0 = arith.constant 0 : i32
    %c0_i32_1 = arith.constant 0 : i32
    return %arg0, %c0_i32, %c0_i32_0 : i32, i32, i32
  }
  func.func @transform_4(%arg0: i32) -> (i32, i32, i32) {
    %c0_i32 = arith.constant 0 : i32
    %c0_i32_0 = arith.constant 0 : i32
    %c0_i32_1 = arith.constant 0 : i32
    return %arg0, %c0_i32, %c0_i32_0 : i32, i32, i32
  }
  func.func @transform_5(%arg0: i32) -> (i32, i32) {
    %c0_i32 = arith.constant 0 : i32
    %c0_i32_0 = arith.constant 0 : i32
    %c0_i32_1 = arith.constant 0 : i32
    return %c0_i32, %c0_i32_0 : i32, i32
  }
  func.func @transform_6(%arg0: i32) -> (i32, i32) {
    %c0_i32 = arith.constant 0 : i32
    %c0_i32_0 = arith.constant 0 : i32
    %c0_i32_1 = arith.constant 0 : i32
    return %c0_i32, %c0_i32_0 : i32, i32
  }
  func.func @transform_7(%arg0: i32) -> (i32, i32) {
    %c0_i32 = arith.constant 0 : i32
    %c0_i32_0 = arith.constant 0 : i32
    %c0_i32_1 = arith.constant 0 : i32
    return %c0_i32, %c0_i32_0 : i32, i32
  }
  func.func @transform_8(%arg0: i32) -> (i32, i32) {
    %c0_i32 = arith.constant 0 : i32
    %c0_i32_0 = arith.constant 0 : i32
    return %arg0, %c0_i32 : i32, i32
  }
}

module attributes {stable_mosaic.version = 14 : i64} {
  func.func @_final_body(%arg0: i32, %arg1: memref<1024x128xf32, #tpu.memory_space<vmem>>, %arg2: memref<1024x128xf32, #tpu.memory_space<vmem>>, %arg3: memref<1024x128xf32, #tpu.memory_space<vmem>>, %arg4: memref<1x1x1024xf32, #tpu.memory_space<vmem>>, %arg5: memref<1x1x1024xf32, #tpu.memory_space<vmem>>, %arg6: memref<1x128xf32, #tpu.memory_space<vmem>>, %arg7: memref<1024x128xf32, #tpu.memory_space<vmem>>) attributes {dimension_semantics = [#tpu.dimension_semantics<arbitrary>], iteration_bounds = array<i64: 10>, scalar_prefetch = 0 : i64, scratch_operands = 0 : i64, tpu.core_type = #tpu.core_type<tc>, window_params = [{transform_indices = @transform_0, window_bounds = array<i64: 1024, 128>}, {transform_indices = @transform_1, window_bounds = array<i64: 1024, 128>}, {transform_indices = @transform_2, window_bounds = array<i64: 1024, 128>}, {transform_indices = @transform_3, window_bounds = array<i64: 1, 1, 1024>}, {transform_indices = @transform_4, window_bounds = array<i64: 1, 1, 1024>}, {pipeline_mode = #tpu.pipeline_mode<synchronous>, transform_indices = @transform_5, window_bounds = array<i64: 1, 128>}, {transform_indices = @transform_6, window_bounds = array<i64: 1024, 128>}]} {
    %get3A = arith.constant 0 : index
    %get3A_0 = arith.constant 0 : index
    %get3A_1 = arith.constant 0 : index
    %get3A_2 = vector.load %arg4[%get3A, %get3A_0, %get3A_1] : memref<1x1x1024xf32, #tpu.memory_space<vmem>>, vector<1x1x1024xf32>
    %get3A_3 = vector.shape_cast %get3A_2 : vector<1x1x1024xf32> to vector<1024xf32>
    %get3A_4 = arith.constant 0 : index
    %get3A_5 = arith.constant 0 : index
    %get3A_6 = arith.constant 0 : index
    %get3A_7 = vector.load %arg5[%get3A_4, %get3A_5, %get3A_6] : memref<1x1x1024xf32, #tpu.memory_space<vmem>>, vector<1x1x1024xf32>
    %get3A_8 = vector.shape_cast %get3A_7 : vector<1x1x1024xf32> to vector<1024xf32>
    %add3A = arith.addf %get3A_3, %get3A_8 : vector<1024xf32>
    %add3A_9 = arith.constant 1.000000e+00 : f32
    %add3A_10 = vector.broadcast %add3A_9 : f32 to vector<1024xf32>
    %add3A_11 = arith.addf %add3A, %add3A_10 : vector<1024xf32>
    %rsqrt3A = math.rsqrt %add3A_11 : vector<1024xf32>
    %broadcast_in_dim3A = vector.shape_cast %rsqrt3A : vector<1024xf32> to vector<1024x1xf32>
    %get3A_12 = arith.constant 0 : index
    %get3A_13 = arith.constant 0 : index
    %get3A_14 = vector.load %arg1[%get3A_12, %get3A_13] : memref<1024x128xf32, #tpu.memory_space<vmem>>, vector<1024x128xf32>
    %get3A_15 = arith.constant 0 : index
    %get3A_16 = arith.constant 0 : index
    %get3A_17 = vector.load %arg2[%get3A_15, %get3A_16] : memref<1024x128xf32, #tpu.memory_space<vmem>>, vector<1024x128xf32>
    %add3A_18 = arith.addf %get3A_14, %get3A_17 : vector<1024x128xf32>
    %get3A_19 = arith.constant 0 : index
    %get3A_20 = arith.constant 0 : index
    %get3A_21 = vector.load %arg3[%get3A_19, %get3A_20] : memref<1024x128xf32, #tpu.memory_space<vmem>>, vector<1024x128xf32>
    %add3A_22 = arith.addf %add3A_18, %get3A_21 : vector<1024x128xf32>
    %mul3A = vector.broadcast %broadcast_in_dim3A : vector<1024x1xf32> to vector<1024x128xf32>
    %mul3A_23 = arith.mulf %add3A_22, %mul3A : vector<1024x128xf32>
    %get3A_24 = arith.constant 0 : index
    %get3A_25 = arith.constant 0 : index
    %get3A_26 = vector.load %arg6[%get3A_24, %get3A_25] : memref<1x128xf32, #tpu.memory_space<vmem>>, vector<1x128xf32>
    %add3A_27 = vector.broadcast %get3A_26 : vector<1x128xf32> to vector<1024x128xf32>
    %add3A_28 = arith.addf %mul3A_23, %add3A_27 : vector<1024x128xf32>
    %max3A = arith.constant 0.000000e+00 : f32
    %max3A_29 = vector.broadcast %max3A : f32 to vector<1024x128xf32>
    %max3A_30 = arith.maximumf %add3A_28, %max3A_29 : vector<1024x128xf32>
    %swap3A = arith.constant 0 : index
    %swap3A_31 = arith.constant 0 : index
    %swap3A_32 = vector.load %arg7[%swap3A, %swap3A_31] : memref<1024x128xf32, #tpu.memory_space<vmem>>, vector<1024x128xf32>
    tpu.vector_store %arg7[%swap3A, %swap3A_31], %max3A_30 {strides = array<i32>} : memref<1024x128xf32, #tpu.memory_space<vmem>>, vector<1024x128xf32>,
    return
  }
  func.func @transform_0(%arg0: i32) -> (i32, i32) {
    %c0_i32 = arith.constant 0 : i32
    %c0_i32_0 = arith.constant 0 : i32
    return %arg0, %c0_i32 : i32, i32
  }
  func.func @transform_1(%arg0: i32) -> (i32, i32) {
    %c0_i32 = arith.constant 0 : i32
    %c0_i32_0 = arith.constant 0 : i32
    return %arg0, %c0_i32 : i32, i32
  }
  func.func @transform_2(%arg0: i32) -> (i32, i32) {
    %c0_i32 = arith.constant 0 : i32
    %c0_i32_0 = arith.constant 0 : i32
    return %arg0, %c0_i32 : i32, i32
  }
  func.func @transform_3(%arg0: i32) -> (i32, i32, i32) {
    %c0_i32 = arith.constant 0 : i32
    %c0_i32_0 = arith.constant 0 : i32
    %c0_i32_1 = arith.constant 0 : i32
    return %arg0, %c0_i32, %c0_i32_0 : i32, i32, i32
  }
  func.func @transform_4(%arg0: i32) -> (i32, i32, i32) {
    %c0_i32 = arith.constant 0 : i32
    %c0_i32_0 = arith.constant 0 : i32
    %c0_i32_1 = arith.constant 0 : i32
    return %arg0, %c0_i32, %c0_i32_0 : i32, i32, i32
  }
  func.func @transform_5(%arg0: i32) -> (i32, i32) {
    %c0_i32 = arith.constant 0 : i32
    %c0_i32_0 = arith.constant 0 : i32
    %c0_i32_1 = arith.constant 0 : i32
    return %c0_i32, %c0_i32_0 : i32, i32
  }
  func.func @transform_6(%arg0: i32) -> (i32, i32) {
    %c0_i32 = arith.constant 0 : i32
    %c0_i32_0 = arith.constant 0 : i32
    return %arg0, %c0_i32 : i32, i32
  }
}

</mosaic_0001>

<sc_bundles>
// kernel: kernel.11.cloned.1.call-start
scs
__scs_entry_jumppad:
0x0: {  	(pc) =	sbr.rel $0x88, $3  }
0x1: {  	(tag) =	ssettag $0x0;
	lr =	simm.s32 $0x1  }
0x2: {  	[smem:$0x3F9B] =	sst lr;
	_ =	strace $0xD0000000  }
0x3: {  	_ = 	snop  }
0x4: {  	_ = 	snop  }
0x5: {  	_ = 	snop  }
0x6: {  	_ = 	snop  }
0x7: {  	_ = 	snop  }
__scs_overlays_trampoline_lowered:
0x8: {  	[smem:$0x3FAA] =	sst s0  }
0x9: {  	[smem:$0x3FAB] =	sst s1  }
0xa: {  	[smem:$0x3FAC] =	sst s2  }
0xb: {  	[smem:$0x3FAD] =	sst s3  }
0xc: {  	[smem:$0x3FAE] =	sst s4  }
0xd: {  	[smem:$0x3FAF] =	sst s5  }
0xe: {  	[smem:$0x3FB0] =	sst s6  }
0xf: {  	[smem:$0x3FB1] =	sst s7  }
0x10: {  	[smem:$0x3FB2] =	sst s8  }
0x11: {  	[smem:$0x3FB3] =	sst s9;
	s0 =	simm.s32 @!p0 $0x0  }
0x12: {  	s1 =	sld [smem:$0x3F99];
	s0 =	simm.s32 @p0 $0x1  }
0x13: {  	[smem:$0x3FB4] =	sst s0;
	s0 =	simm.s32 @!p1 $0x0  }
0x14: {  	s2 =	sld [smem:$0x3F98];
	s0 =	simm.s32 @p1 $0x1  }
0x15: {  	[smem:$0x3FB5] =	sst s0;
	s0 =	simm.s32 @!p2 $0x0  }
0x16: {  	s3 =	sld [smem:$0x3FDB];
	s0 =	simm.s32 @p2 $0x1  }
0x17: {  	s4 =	simm.s32 $0x1BF5;
	[smem:$0x3FB7] =	sst s0  }
0x18: {  	s0 =	sld [smem:$0x3F9A];
	_ =	swait.ge [sflag:s4], $0x0  }
0x19: {  	s7 =	sld [smem:$0x3F9B]  }
0x1a: {  	s8 =	sadd.s32 $0xFFFFE003, lr  }
0x1b: {  	s9 =	sadd.s32 $0xFFFFFEF7, lr;
	s5 =	simm.s32 $0xFFFFFFFF;
	p2 =	slt.u32 s8, $0xFFFFF086  }
0x1c: {  	p1 =	slt.u32 s9, $0xF7A;
	s5 =	simm.s32 @!p2 $0x0  }
0x1d: {  	s5 =	simm.s32 @p1 $0x1;
	p0 =	seq.s32 s7, s2  }
0x1e: {  	s7 =	smul.u32 @!p0 $0xF7A, s2;
	p2 =	seq.s32 @!p0 s5, $0x0  }
0x1f: {  	s9 =	smul.u32 $0xF7A, s1;
	s8 =	simm.s32 @!p0 $0x1BF5;
	p2 =	por !p2, p0  }
0x20: {  	[sflag:s8] =	ssyncset.s32 @!p0 $0xFFFFF086;
	s6 =	sadd.s32 @!p0 s3, s7;
	s7 =	simm.s32 @!p0 $0x108  }
0x21: {  	s3 =	sadd.s32 s3, s9;
	s6 =	sadd.s32 @!p0 $0x88, s6;
	s7 =	simm.s32 @p2 $0x1082  }
0x22: {  	[simem:s7], [sflag:s8] =	dma.local @!p0 [hbm:s6], $0xF7A  }
0x23: {  	s9 =	sor.u32 $0xD0000000, s2;
	s6 =	simm.s32 $0x108;
	_ =	swait.ge @!p0 [sflag:s8], $0x0  }
0x24: {  	s3 =	sadd.s32 $0x88, s3;
	s6 =	simm.s32 @!p1 $0x1082;
	[sflag:s4] =	ssyncset.s32 $0xFFFFF086  }
0x25: {  	[simem:s6], [sflag:s4] =	dma.local [hbm:s3], $0xF7A  }
0x26: {  	[smem:$0x3F9B] =	sst s1;
	(tag) =	ssettag s2;
	_ =	strace s9  }
0x27: {  	s1 =	sld [smem:$0x3FAB]  }
0x28: {  	s2 =	sld [smem:$0x3FAC]  }
0x29: {  	s4 =	sld [smem:$0x3FAE]  }
0x2a: {  	p0 =	seq.s32 s5, $0x0;
	s5 =	sld [smem:$0x3FAF]  }
0x2b: {  	s6 =	sld [smem:$0x3FB0]  }
0x2c: {  	s7 =	sld [smem:$0x3FB1]  }
0x2d: {  	s3 =	simm.s32 $0x108;
	s8 =	sld [smem:$0x3FB2]  }
0x2e: {  	s3 =	simm.s32 @!p0 $0x1082;
	s9 =	sld [smem:$0x3FB3]  }
0x2f: {  	lr =	sadd.s32 s0, s3;
	s0 =	sld [smem:$0x3FAA]  }
0x30: {  	s3 =	sld [smem:$0x3FAD]  }
0x31: {  	[smem:$0x3FB6] =	sst s10  }
0x32: {  	s10 =	sld [smem:$0x3FB4];
	_ =	sdelay $0x3  }
0x33: {  	p0 =	seq.s32 s10, $0x1;
	s10 =	sld [smem:$0x3FB6];
	_ =	sdelay $0x3  }
0x34: {  	[smem:$0x3FB6] =	sst s10  }
0x35: {  	s10 =	sld [smem:$0x3FB5];
	_ =	sdelay $0x3  }
0x36: {  	p1 =	seq.s32 s10, $0x1;
	s10 =	sld [smem:$0x3FB6];
	_ =	sdelay $0x3  }
0x37: {  	[smem:$0x3FB6] =	sst s10  }
0x38: {  	s10 =	sld [smem:$0x3FB7]  }
0x39: {  	_ = 	snop;
	(pc) =	sbr.ind lr, $3  }
0x3a: {  	_ = 	snop  }
0x3b: {  	_ = 	snop  }
0x3c: {  	p2 =	seq.s32 s10, $0x1;
	s10 =	sld [smem:$0x3FB6]  }
0x3d: {  	_ =	shalt  }
0x3e: {  	_ =	shalt  }
0x3f: {  	_ =	shalt  }
0x40: {  	_ =	shalt  }
0x41: {  	_ =	shalt  }
0x42: {  	_ =	shalt  }
0x43: {  	_ =	shalt  }
0x44: {  	_ =	shalt  }
0x45: {  	_ =	shalt  }
0x46: {  	_ =	shalt  }
0x47: {  	_ =	shalt  }
0x48: {  	_ =	shalt  }
0x49: {  	_ =	shalt  }
0x4a: {  	_ =	shalt  }
0x4b: {  	_ =	shalt  }
0x4c: {  	_ =	shalt  }
0x4d: {  	_ =	shalt  }
0x4e: {  	_ =	shalt  }
0x4f: {  	_ =	shalt  }
0x50: {  	_ =	shalt  }
0x51: {  	_ =	shalt  }
0x52: {  	_ =	shalt  }
0x53: {  	_ =	shalt  }
0x54: {  	_ =	shalt  }
0x55: {  	_ =	shalt  }
0x56: {  	_ =	shalt  }
0x57: {  	_ =	shalt  }
0x58: {  	_ =	shalt  }
0x59: {  	_ =	shalt  }
0x5a: {  	_ =	shalt  }
0x5b: {  	_ =	shalt  }
0x5c: {  	_ =	shalt  }
0x5d: {  	_ =	shalt  }
0x5e: {  	_ =	shalt  }
0x5f: {  	_ =	shalt  }
0x60: {  	_ =	shalt  }
0x61: {  	_ =	shalt  }
0x62: {  	_ =	shalt  }
0x63: {  	_ =	shalt  }
0x64: {  	_ =	shalt  }
0x65: {  	_ =	shalt  }
0x66: {  	_ =	shalt  }
0x67: {  	_ =	shalt  }
0x68: {  	_ =	shalt  }
0x69: {  	_ =	shalt  }
0x6a: {  	_ =	shalt  }
0x6b: {  	_ =	shalt  }
0x6c: {  	_ =	shalt  }
0x6d: {  	_ =	shalt  }
0x6e: {  	_ =	shalt  }
0x6f: {  	_ =	shalt  }
0x70: {  	_ =	shalt  }
0x71: {  	_ =	shalt  }
0x72: {  	_ =	shalt  }
0x73: {  	_ =	shalt  }
0x74: {  	_ =	shalt  }
0x75: {  	_ =	shalt  }
0x76: {  	_ =	shalt  }
0x77: {  	_ =	shalt  }
0x78: {  	_ =	shalt  }
0x79: {  	_ =	shalt  }
0x7a: {  	_ =	shalt  }
0x7b: {  	_ =	shalt  }
0x7c: {  	_ =	shalt  }
0x7d: {  	_ =	shalt  }
0x7e: {  	_ =	shalt  }
0x7f: {  	_ =	shalt  }
0x80: {  	_ =	shalt  }
0x81: {  	_ =	shalt  }
0x82: {  	_ =	shalt  }
0x83: {  	_ =	shalt  }
0x84: {  	_ =	shalt  }
0x85: {  	_ =	shalt  }
0x86: {  	_ =	shalt  }
0x87: {  	_ =	shalt  }
.Lfunc_end0:
.L_simem_size_0:
called_computation.1_lowered:
.L_overlay_start_0:
0x88: {  	s2 =	sld [smem:$0x3FD9]  }
0x89: {  	s3 =	sld [smem:$0x3FFE];
	_ =	sdelay $0x1  }
0x8a: {  	s1 =	srdreg.scid  }
0x8b: {  	s0 =	sand.u32 $0x1, s1  }
0x8c: {  	s17 =	sshll.u32 s0, $0xA;
	s2 =	sadd.s32 s3, s2  }
0x8d: {  	s2 =	sadd.s32 s2, s17  }
0x8e: {  	[smem:$0x3FC2] =	sst s2  }
0x8f: {  	_ = 	snop  }
0x90: {  	s2 =	sld [smem:$0x3FD0];
	(tm) =	ssettm $0x1  }
0x91: {  	s18 =	sld [smem:$0x3FFB];
	_ =	sdelay $0x3  }
0x92: {  	_ =	strace s18  }
0x93: {  	s3 =	sld [smem:$0x3FFC];
	_ =	sdelay $0x3  }
0x94: {  	_ =	strace s3  }
0x95: {  	s3 =	sld [smem:$0x3FFD];
	_ =	sdelay $0x3  }
0x96: {  	_ =	strace s3  }
0x97: {  	_ =	strace $0x8FFFFFFF  }
0x98: {  	s19 =	sld [smem:$0x3FDB];
	_ =	sdelay $0x1  }
0x99: {  	s4 =	simm.s32 $_scs_section_size  }
0x9a: {  	s5 =	simm.s32 $_size__tile_overlayer_lowered;
	s6 =	simm.s32 $_tile_overlayer_lowered  }
0x9b: {  	s22 =	simm.s32 $0x1BFF;
	s21 =	sshll.u32 s6, $0x1;
	s3 =	sadd.s32 s4, s19  }
0x9c: {  	s7 =	simm.s32 $0x0;
	s20 =	sshll.u32 s5, $0x1;
	s5 =	sadd.s32 s21, s3  }
0x9d: {  	[timem:s7], [sflag:s22] =	dma.local [hbm:s5], s20  }
0x9e: {  	_ =	swait.ge [sflag:s22], s20  }
0x9f: {  	s4 =	ssub.s32 $0x0, s20;
	[sflag:s22] =	ssyncset.done $0x0  }
0xa0: {  	[sflag:s22] =	ssyncadd.s32 s4;
	_ =	sdelay $0x1  }
0xa1: {  	s23 =	simm.s32 $0x1B8B  }
0xa2: {  	_ =	swait.ge [sflag:s23], $0x1  }
0xa3: {  	[sflag:s23] =	ssyncset.done $0x0  }
0xa4: {  	s25 =	simm.s32 $0x1B8E;
	s24 =	sld [smem:$0x3FFE];
	[sflag:s23] =	ssyncadd.s32 $0xFFFFFFFF  }
0xa5: {  	s26 =	simm.s32 $execute0_lowered;
	[smem:$0x3FD2] =	sst s25  }
0xa6: {  	s5 =	sshll.u32 s26, $0x1;
	_ =	strace $0x80000049;
	[dreg:$0x1] =	wrdreg $0xFFFFFFFF  }
0xa7: {  	s28 =	simm.s32 $_size_execute0_lowered;
	s3 =	sadd.s32 s3, s5;
	[dreg:$0x0] =	wrdreg $0x0  }
0xa8: {  	s5 =	sshll.u32 s28, $0x1;
	[dreg:$0x2] =	wrdreg s3  }
0xa9: {  	[dreg:$0x3] =	wrdreg s5  }
0xaa: {  	[dreg:$0x4] =	wrdreg $0xC0  }
0xab: {  	_ =	task [dreg:s7], $0x5FFFF  }
0xac: {  	[dreg:$0x1] =	wrdreg $0xFFFFFFFF  }
0xad: {  	[dreg:$0x0] =	wrdreg $0x60  }
0xae: {  	[dreg:$0x2] =	wrdreg s2  }
0xaf: {  	[dreg:$0x3] =	wrdreg s24  }
0xb0: {  	[dreg:$0x4] =	wrdreg $0x29000  }
0xb1: {  	[dreg:$0x5] =	wrdreg $0x9  }
0xb2: {  	_ =	task.clear_ibuf [dreg:s7], $0x6FFFF;
	_ =	strace $0x90000049  }
0xb3: {  	s29 =	simm.s32 $0x9;
	_ =	strace $0x8000004B  }
0xb4: {  	_ =	swait.ge [sflag:s29], $0x1  }
0xb5: {  	[sflag:s29] =	ssyncadd.s32 $0xFFFFFFFF  }
0xb6: {  	_ =	strace $0x9000004B  }
0xb7: {  	_ =	sfence  }
0xb8: {  	s30 =	sld [smem:$0x0];
	_ =	sdelay $0x2  }
0xb9: {  	s31 =	sshll.u32 s1, $0xD;
	s1 =	sshrl.u32 s1, $0x2  }
0xba: {  	s3 =	sand.u32 $0x4000, s31;
	s1 =	sadd.s32 s1, s30  }
0xbb: {  	s0 =	sor.u32 s3, s0;
	s1 =	sshll.u32 s1, $0x11  }
0xbc: {  	s0 =	sor.u32 s1, s0  }
0xbd: {  	s0 =	sadd.s32 $0x8F2B, s0  }
0xbe: {  	[sflag:s0] =	ssyncadd.remote.s32 $0x1  }
0xbf: {  	_ =	sfence.sel $0xFFFF  }
0xc0: {  	[dreg:$0x0] =	wrdreg $0xFFFFFFFF;
	(pc) =	sbr.abs _section_cstart, $3  }
0xc1: {  	[dreg:$0x1] =	wrdreg $0xFFFFFFFF  }
0xc2: {  	_ =	task.clear_ibuf [dreg:s7], $0x2FFFF;
	_ =	strace $0x9FFFFFFF  }
0xc3: {  	(tm) =	ssettm $0x7FFFFFFF  }
tec
execute0_lowered:
.L_overlay_start_1:
0x0: {  	(tag) =	ssettag $0x1  }
0x1: {  	s1 =	rddreg [dreg:$0x0]  }
0x2: {  	s5 =	rddreg [dreg:$0x1]  }
0x3: {  	s0 =	srdreg.scid;
	s3 =	rddreg [dreg:$0x2]  }
0x4: {  	s2 =	rddreg [dreg:$0x3];
	s4 =	simm.s32 $0x0;
	s6 =	sand.u32 $0x1, s0  }
0x5: {  	s17 =	simm.s32 $0x100;
	s0 =	stileid.u32;
	s7 =	smul.u32 $0x27100, s6  }
0x6: {  	s18 =	simm.s32 $0x2;
	s19 =	simm.s32 $0x80;
	s8 =	smul.u32 $0x2710, s0  }
0x7: {  	s20 =	simm.s32 $0x50;
	s21 =	simm.s32 $0x1;
	s9 =	smul.u32 $0x140000, s6  }
0x8: {  	s22 =	simm.s32 $0x0;
	[smem:$0x7FF] =	sst s4;
	s25 =	smul.u32 $0x14000, s0  }
0x9: {  	_ =	strace $0x8000004A;
	s6 =	ssub.s32 $0x2, s6;
	s26 =	smul.u32 $0x50000, s0  }
0xa: {  	s29 =	sshrl.u32 s6, $0x1;
	s7 =	sadd.s32 s8, s7;
	s8 =	sadd.s32 s25, s9  }
0xb: {  	s30 =	ssub.s32 s6, s29;
	s31 =	sshrl.u32 s26, $0x2;
	s7 =	sshrl.u32 s7, $0x3  }
0xc: {  	s28 =	sshrl.u32 s8, $0x3;
	s6 =	sadd.s32 s31, s3;
	s16 =	sadd.s32 s7, s5  }
0xd: {  	s5 =	sadd.s32 s28, s5;
	s7 =	smax.u32 s30, $0x1;
	s8 =	sadd.s32 $0x2800, s6  }
0xe: {  	s9 =	sadd.s32 $0x5000, s6;
	s10 =	sadd.s32 $0x7800, s6;
	s11 =	sadd.s32 $0xA000, s6  }
0xf: {  	s12 =	sadd.s32 $0xC800, s6;
	s13 =	sadd.s32 $0xF000, s6;
	s14 =	sadd.s32 $0x11800, s6  }
0x10: {  	v0 =	vimm.f32 $0.0e+00;
	s5 =	sadd.s32 $0x16400, s5;
	s15 =	sadd.s32 $0xC600, s16;
	s16 =	sadd.s32 $0x2800, s16  }
.LBB2_1:
0x11: {  	s23 =	simm.s32 $0x70;
	s24 =	simm.s32 $0x3C0  }
.LBB2_2:
0x12: {  	p0 =	sne.s32 s24, $0x9FC0;
	[tilespmem:s23+$0x100] =	vst v0  }
0x13: {  	[tilespmem:s23+$0x90] =	vst v0  }
0x14: {  	[tilespmem:s23+$0xA0] =	vst v0  }
.Ltmp0:
0x15: {  	[tilespmem:s23+$0xB0] =	vst v0;
	(pc) =	sbr.rel @p0 .LBB2_2-.Ltmp0, $4  }
0x16: {  	[tilespmem:s23+$0xC0] =	vst v0  }
0x17: {  	[tilespmem:s23+$0xD0] =	vst v0  }
0x18: {  	[tilespmem:s23+$0xE0] =	vst v0  }
0x19: {  	[tilespmem:s23+$0xF0] =	vst v0;
	s23 =	sshra.s32 s24, $0x2;
	s24 =	sadd.s32 $0x200, s24  }
0x1a: {  	[tilespmem:s23+$0x100] =	vst v0  }
0x1b: {  	[tilespmem:s23+$0x90] =	vst v0  }
0x1c: {  	[tilespmem:s23+$0xA0] =	vst v0  }
0x1d: {  	[tilespmem:s23+$0xB0] =	vst v0  }
0x1e: {  	[tilespmem:s23+$0xC0] =	vst v0  }
0x1f: {  	[tilespmem:s23+$0xD0] =	vst v0  }
0x20: {  	[tilespmem:s23+$0xE0] =	vst v0  }
0x21: {  	[tilespmem:s23+$0xF0] =	vst v0  }
0x22: {  	[spmem:s6] =	stream.linear.scatter [tilespmem:s17], [sflag:$0x2], $0x2800, $0x38;
	[tilespmem:$0x16900] =	vst v63  }
0x23: {  	_ =	swait.ge [sflag:s18], $0x2800  }
0x24: {  	[sflag:s18] =	ssyncset.done $0x0  }
0x25: {  	[sflag:s18] =	ssyncadd.s32 $0xFFFFD800  }
0x26: {  	[spmem:s8] =	stream.linear.scatter [tilespmem:s17], [sflag:$0x2], $0x2800, $0x38;
	[tilespmem:$0x16900] =	vst v63  }
0x27: {  	_ =	swait.ge [sflag:s18], $0x2800  }
0x28: {  	[sflag:s18] =	ssyncset.done $0x0  }
0x29: {  	[sflag:s18] =	ssyncadd.s32 $0xFFFFD800  }
0x2a: {  	[spmem:s9] =	stream.linear.scatter [tilespmem:s17], [sflag:$0x2], $0x2800, $0x38;
	[tilespmem:$0x16900] =	vst v63  }
0x2b: {  	_ =	swait.ge [sflag:s18], $0x2800  }
0x2c: {  	[sflag:s18] =	ssyncset.done $0x0  }
0x2d: {  	[sflag:s18] =	ssyncadd.s32 $0xFFFFD800  }
0x2e: {  	[spmem:s10] =	stream.linear.scatter [tilespmem:s17], [sflag:$0x2], $0x2800, $0x38;
	[tilespmem:$0x16900] =	vst v63  }
0x2f: {  	_ =	swait.ge [sflag:s18], $0x2800  }
0x30: {  	[sflag:s18] =	ssyncset.done $0x0  }
0x31: {  	[sflag:s18] =	ssyncadd.s32 $0xFFFFD800  }
0x32: {  	[spmem:s11] =	stream.linear.scatter [tilespmem:s17], [sflag:$0x2], $0x2800, $0x38;
	[tilespmem:$0x16900] =	vst v63  }
0x33: {  	_ =	swait.ge [sflag:s18], $0x2800  }
0x34: {  	[sflag:s18] =	ssyncset.done $0x0  }
0x35: {  	[sflag:s18] =	ssyncadd.s32 $0xFFFFD800  }
0x36: {  	[spmem:s12] =	stream.linear.scatter [tilespmem:s17], [sflag:$0x2], $0x2800, $0x38;
	[tilespmem:$0x16900] =	vst v63  }
0x37: {  	_ =	swait.ge [sflag:s18], $0x2800  }
0x38: {  	[sflag:s18] =	ssyncset.done $0x0  }
0x39: {  	[sflag:s18] =	ssyncadd.s32 $0xFFFFD800  }
0x3a: {  	[spmem:s13] =	stream.linear.scatter [tilespmem:s17], [sflag:$0x2], $0x2800, $0x38;
	[tilespmem:$0x16900] =	vst v63  }
0x3b: {  	_ =	swait.ge [sflag:s18], $0x2800  }
0x3c: {  	[sflag:s18] =	ssyncset.done $0x0  }
0x3d: {  	[sflag:s18] =	ssyncadd.s32 $0xFFFFD800  }
0x3e: {  	[spmem:s14] =	stream.linear.scatter [tilespmem:s17], [sflag:$0x2], $0x2800, $0x38;
	[tilespmem:$0x16900] =	vst v63  }
0x3f: {  	_ =	swait.ge [sflag:s18], $0x2800  }
0x40: {  	[sflag:s18] =	ssyncset.done $0x0  }
0x41: {  	[sflag:s18] =	ssyncadd.s32 $0xFFFFD800  }
0x42: {  	s30 =	sadd.s32 $0x0, s16;
	[bflag:$0x0] =	sbarrier.arrive $0xFFFF  }
0x43: {  	[tilespmem:s4], [sflag:$0x2] =	stream.linear.gather [hbm4b:s30+s4], $0x50, $0x38;
	[tilespmem:$0x16900] =	vst v63  }
0x44: {  	_ =	swait.ge [sflag:s18], $0x50  }
0x45: {  	[sflag:s18] =	ssyncset.done $0x0  }
0x46: {  	s31 =	sadd.s32 $0x0, s15;
	[sflag:s18] =	ssyncadd.s32 $0xFFFFFFB0  }
0x47: {  	[tilespmem:s19], [sflag:$0x2] =	stream.linear.gather [hbm4b:s31+s4], $0x50, $0x38;
	[tilespmem:$0x16900] =	vst v63  }
0x48: {  	_ =	swait.ge [sflag:s18], $0x50  }
0x49: {  	[sflag:s18] =	ssyncset.done $0x0  }
0x4a: {  	[sflag:s18] =	ssyncadd.s32 $0xFFFFFFB0  }
0x4b: {  	[tilespmem:s17], [sflag:$0x1] =	stream.indirect.gather [hbm4b:s1+s20], $0x80, s4, s20, $0xb8;
	[tilespmem:$0x16900] =	vst v63  }
0x4c: {  	_ =	swait.ge [sflag:s21], $0x2800  }
0x4d: {  	[sflag:s21] =	ssyncset.done $0x0  }
0x4e: {  	[sflag:s21] =	ssyncadd.s32 $0xFFFFD800  }
0x4f: {  	[spmem:s3] =	stream.indirect.scatter.add.f32 [tilespmem:s17], [sflag:$0x2], $0x80, s19, s20, $0xb8;
	[tilespmem:$0x16900] =	vst v63  }
0x50: {  	_ =	swait.ge [sflag:s18], $0x2800  }
0x51: {  	s23 =	simm.s32 $0xA;
	s24 =	simm.s32 $0x14;
	[sflag:s18] =	ssyncset.done $0x0  }
.LBB2_4:
0x52: {  	s25 =	sadd.s32 s23, s16  }
0x53: {  	[sflag:s18] =	ssyncadd.s32 $0xFFFFD800;
	s26 =	smov.u32 s24;
	s28 =	sadd.s32 $0xA, s24  }
0x54: {  	[tilespmem:s4], [sflag:$0x2] =	stream.linear.gather [hbm4b:s25+s4], $0x50, $0x38;
	[tilespmem:$0x16900] =	vst v63  }
0x55: {  	p0 =	sne.s32 s24, $0x4D8;
	_ =	swait.ge [sflag:s18], $0x50  }
0x56: {  	[sflag:s18] =	ssyncset.done $0x0  }
0x57: {  	s24 =	sadd.s32 s23, s15;
	s23 =	smov.u32 s26;
	[sflag:s18] =	ssyncadd.s32 $0xFFFFFFB0  }
0x58: {  	[tilespmem:s19], [sflag:$0x2] =	stream.linear.gather [hbm4b:s24+s4], $0x50, $0x38;
	[tilespmem:$0x16900] =	vst v63  }
0x59: {  	_ =	swait.ge [sflag:s18], $0x50  }
0x5a: {  	[sflag:s18] =	ssyncset.done $0x0  }
0x5b: {  	[sflag:s18] =	ssyncadd.s32 $0xFFFFFFB0  }
0x5c: {  	[tilespmem:s17], [sflag:$0x1] =	stream.indirect.gather [hbm4b:s1+s20], $0x80, s4, s20, $0xb8;
	[tilespmem:$0x16900] =	vst v63  }
0x5d: {  	_ =	swait.ge [sflag:s21], $0x2800  }
.Ltmp1:
0x5e: {  	[sflag:s21] =	ssyncset.done $0x0;
	(pc) =	sbr.rel @p0 .LBB2_4-.Ltmp1, $4  }
0x5f: {  	[sflag:s21] =	ssyncadd.s32 $0xFFFFD800  }
0x60: {  	[spmem:s3] =	stream.indirect.scatter.add.f32 [tilespmem:s17], [sflag:$0x2], $0x80, s19, s20, $0xb8;
	[tilespmem:$0x16900] =	vst v63  }
0x61: {  	_ =	swait.ge [sflag:s18], $0x2800  }
0x62: {  	s24 =	smov.u32 s28;
	[sflag:s18] =	ssyncset.done $0x0  }
0x63: {  	s24 =	sadd.s32 s23, s16;
	[sflag:s18] =	ssyncadd.s32 $0xFFFFD800  }
0x64: {  	[tilespmem:s4], [sflag:$0x2] =	stream.linear.gather [hbm4b:s24+s4], $0x50, $0x38;
	[tilespmem:$0x16900] =	vst v63  }
0x65: {  	_ =	swait.ge [sflag:s18], $0x50  }
0x66: {  	[sflag:s18] =	ssyncset.done $0x0  }
0x67: {  	s29 =	sadd.s32 s23, s15;
	[sflag:s18] =	ssyncadd.s32 $0xFFFFFFB0  }
0x68: {  	[tilespmem:s19], [sflag:$0x2] =	stream.linear.gather [hbm4b:s29+s4], $0x50, $0x38;
	[tilespmem:$0x16900] =	vst v63  }
0x69: {  	_ =	swait.ge [sflag:s18], $0x50  }
0x6a: {  	[sflag:s18] =	ssyncset.done $0x0  }
0x6b: {  	[sflag:s18] =	ssyncadd.s32 $0xFFFFFFB0  }
0x6c: {  	[tilespmem:s17], [sflag:$0x1] =	stream.indirect.gather [hbm4b:s1+s20], $0x80, s4, s20, $0xb8;
	[tilespmem:$0x16900] =	vst v63  }
0x6d: {  	_ =	swait.ge [sflag:s21], $0x2800  }
0x6e: {  	[sflag:s21] =	ssyncset.done $0x0  }
0x6f: {  	[sflag:s21] =	ssyncadd.s32 $0xFFFFD800  }
0x70: {  	[spmem:s3] =	stream.indirect.scatter.add.f32 [tilespmem:s17], [sflag:$0x2], $0x80, s19, s20, $0xb8;
	[tilespmem:$0x16900] =	vst v63  }
0x71: {  	_ =	swait.ge [sflag:s18], $0x2800  }
0x72: {  	s30 =	sshll.u32 s0, $0x6;
	s22 =	sadd.s32 $0x1, s22;
	[sflag:s18] =	ssyncset.done $0x0  }
0x73: {  	s31 =	sshrl.u32 s6, $0x3;
	p0 =	sne.s32 s22, s7;
	[sflag:s18] =	ssyncadd.s32 $0xFFFFD800  }
.Ltmp2:
0x74: {  	s23 =	sor.u32 $0x1C02, s30;
	[bflag:$0x0] =	sbarrier.arrive $0xFFFF;
	(pc) =	sbr.rel @p0 .LBB2_1-.Ltmp2, $4  }
0x75: {  	[hbm:s5], [sflag:s23] =	dma.local [spmem:s31], $0x2800  }
0x76: {  	_ =	swait.ge [sflag:s18], $0x2800  }
0x77: {  	[sflag:s18] =	ssyncset.done $0x0  }
0x78: {  	[sflag:s18] =	ssyncadd.s32 $0xFFFFD800  }
0x79: {  	_ =	sfence.sel $0x180000  }
0x7a: {  	[bflag:$0x0] =	sbarrier.arrive $0xFFFF  }
0x7b: {  	p0 =	sne.s32 s0, $0x0;
	_ =	strace $0x9000004A  }
0x7c: {  	s0 =	sadd.s32 @!p0 $0x100000, s2;
	[bflag:$0x2] =	sbarrier.arrive $0xFFFF  }
0x7d: {  	[sflag:s0] =	ssyncadd.tile.s32 @!p0 $0x1;
	_ =	shalt  }
.Lfunc_end2:
_tile_overlayer_lowered:
.L_overlay_start_2:
0x7e: {  	(tag) =	ssettag $0x2  }
0x7f: {  	s0 =	rddreg [dreg:$0x0];
	s2 =	stileid.u32  }
0x80: {  	s1 =	rddreg [dreg:$0x1];
	p0 =	sne.s32 s2, $0x0  }
0x81: {  	s3 =	rddreg [dreg:$0x2];
	[bflag:$0x3] =	sbarrier.arrive $0xFFFF;
	s2 =	simm.s32 @!p0 $0x1C02  }
0x82: {  	[timem:s3], [sflag:s2] =	dma.local @!p0 [hbm:s0], s1  }
0x83: {  	s0 =	simm.s32 @!p0 $0x2  }
0x84: {  	_ =	swait.ge @!p0 [sflag:s0], s1  }
0x85: {  	s1 =	ssub.s32 @!p0 $0x0, s1;
	[sflag:s0] =	ssyncset.done @!p0 $0x0  }
0x86: {  	[sflag:s0] =	ssyncadd.s32 @!p0 s1  }
0x87: {  	[bflag:$0x3] =	sbarrier.arrive $0xFFFF  }
0x88: {  	_ =	shalt  }

// kernel: kernel.14.cloned.1.call-start
scs
__scs_entry_jumppad:
0x0: {  	(pc) =	sbr.rel $0x88, $3  }
0x1: {  	(tag) =	ssettag $0x0;
	lr =	simm.s32 $0x1  }
0x2: {  	[smem:$0x3F9B] =	sst lr;
	_ =	strace $0xD0000000  }
0x3: {  	_ = 	snop  }
0x4: {  	_ = 	snop  }
0x5: {  	_ = 	snop  }
0x6: {  	_ = 	snop  }
0x7: {  	_ = 	snop  }
__scs_overlays_trampoline_lowered:
0x8: {  	[smem:$0x3FAA] =	sst s0  }
0x9: {  	[smem:$0x3FAB] =	sst s1  }
0xa: {  	[smem:$0x3FAC] =	sst s2  }
0xb: {  	[smem:$0x3FAD] =	sst s3  }
0xc: {  	[smem:$0x3FAE] =	sst s4  }
0xd: {  	[smem:$0x3FAF] =	sst s5  }
0xe: {  	[smem:$0x3FB0] =	sst s6  }
0xf: {  	[smem:$0x3FB1] =	sst s7  }
0x10: {  	[smem:$0x3FB2] =	sst s8  }
0x11: {  	[smem:$0x3FB3] =	sst s9;
	s0 =	simm.s32 @!p0 $0x0  }
0x12: {  	s1 =	sld [smem:$0x3F99];
	s0 =	simm.s32 @p0 $0x1  }
0x13: {  	[smem:$0x3FB4] =	sst s0;
	s0 =	simm.s32 @!p1 $0x0  }
0x14: {  	s2 =	sld [smem:$0x3F98];
	s0 =	simm.s32 @p1 $0x1  }
0x15: {  	[smem:$0x3FB5] =	sst s0;
	s0 =	simm.s32 @!p2 $0x0  }
0x16: {  	s3 =	sld [smem:$0x3FDB];
	s0 =	simm.s32 @p2 $0x1  }
0x17: {  	s4 =	simm.s32 $0x1BF5;
	[smem:$0x3FB7] =	sst s0  }
0x18: {  	s0 =	sld [smem:$0x3F9A];
	_ =	swait.ge [sflag:s4], $0x0  }
0x19: {  	s7 =	sld [smem:$0x3F9B]  }
0x1a: {  	s8 =	sadd.s32 $0xFFFFE003, lr  }
0x1b: {  	s9 =	sadd.s32 $0xFFFFFEF7, lr;
	s5 =	simm.s32 $0xFFFFFFFF;
	p2 =	slt.u32 s8, $0xFFFFF086  }
0x1c: {  	p1 =	slt.u32 s9, $0xF7A;
	s5 =	simm.s32 @!p2 $0x0  }
0x1d: {  	s5 =	simm.s32 @p1 $0x1;
	p0 =	seq.s32 s7, s2  }
0x1e: {  	s7 =	smul.u32 @!p0 $0xF7A, s2;
	p2 =	seq.s32 @!p0 s5, $0x0  }
0x1f: {  	s9 =	smul.u32 $0xF7A, s1;
	s8 =	simm.s32 @!p0 $0x1BF5;
	p2 =	por !p2, p0  }
0x20: {  	[sflag:s8] =	ssyncset.s32 @!p0 $0xFFFFF086;
	s6 =	sadd.s32 @!p0 s3, s7;
	s7 =	simm.s32 @!p0 $0x108  }
0x21: {  	s3 =	sadd.s32 s3, s9;
	s6 =	sadd.s32 @!p0 $0x88, s6;
	s7 =	simm.s32 @p2 $0x1082  }
0x22: {  	[simem:s7], [sflag:s8] =	dma.local @!p0 [hbm:s6], $0xF7A  }
0x23: {  	s9 =	sor.u32 $0xD0000000, s2;
	s6 =	simm.s32 $0x108;
	_ =	swait.ge @!p0 [sflag:s8], $0x0  }
0x24: {  	s3 =	sadd.s32 $0x88, s3;
	s6 =	simm.s32 @!p1 $0x1082;
	[sflag:s4] =	ssyncset.s32 $0xFFFFF086  }
0x25: {  	[simem:s6], [sflag:s4] =	dma.local [hbm:s3], $0xF7A  }
0x26: {  	[smem:$0x3F9B] =	sst s1;
	(tag) =	ssettag s2;
	_ =	strace s9  }
0x27: {  	s1 =	sld [smem:$0x3FAB]  }
0x28: {  	s2 =	sld [smem:$0x3FAC]  }
0x29: {  	s4 =	sld [smem:$0x3FAE]  }
0x2a: {  	p0 =	seq.s32 s5, $0x0;
	s5 =	sld [smem:$0x3FAF]  }
0x2b: {  	s6 =	sld [smem:$0x3FB0]  }
0x2c: {  	s7 =	sld [smem:$0x3FB1]  }
0x2d: {  	s3 =	simm.s32 $0x108;
	s8 =	sld [smem:$0x3FB2]  }
0x2e: {  	s3 =	simm.s32 @!p0 $0x1082;
	s9 =	sld [smem:$0x3FB3]  }
0x2f: {  	lr =	sadd.s32 s0, s3;
	s0 =	sld [smem:$0x3FAA]  }
0x30: {  	s3 =	sld [smem:$0x3FAD]  }
0x31: {  	[smem:$0x3FB6] =	sst s10  }
0x32: {  	s10 =	sld [smem:$0x3FB4];
	_ =	sdelay $0x3  }
0x33: {  	p0 =	seq.s32 s10, $0x1;
	s10 =	sld [smem:$0x3FB6];
	_ =	sdelay $0x3  }
0x34: {  	[smem:$0x3FB6] =	sst s10  }
0x35: {  	s10 =	sld [smem:$0x3FB5];
	_ =	sdelay $0x3  }
0x36: {  	p1 =	seq.s32 s10, $0x1;
	s10 =	sld [smem:$0x3FB6];
	_ =	sdelay $0x3  }
0x37: {  	[smem:$0x3FB6] =	sst s10  }
0x38: {  	s10 =	sld [smem:$0x3FB7]  }
0x39: {  	_ = 	snop;
	(pc) =	sbr.ind lr, $3  }
0x3a: {  	_ = 	snop  }
0x3b: {  	_ = 	snop  }
0x3c: {  	p2 =	seq.s32 s10, $0x1;
	s10 =	sld [smem:$0x3FB6]  }
0x3d: {  	_ =	shalt  }
0x3e: {  	_ =	shalt  }
0x3f: {  	_ =	shalt  }
0x40: {  	_ =	shalt  }
0x41: {  	_ =	shalt  }
0x42: {  	_ =	shalt  }
0x43: {  	_ =	shalt  }
0x44: {  	_ =	shalt  }
0x45: {  	_ =	shalt  }
0x46: {  	_ =	shalt  }
0x47: {  	_ =	shalt  }
0x48: {  	_ =	shalt  }
0x49: {  	_ =	shalt  }
0x4a: {  	_ =	shalt  }
0x4b: {  	_ =	shalt  }
0x4c: {  	_ =	shalt  }
0x4d: {  	_ =	shalt  }
0x4e: {  	_ =	shalt  }
0x4f: {  	_ =	shalt  }
0x50: {  	_ =	shalt  }
0x51: {  	_ =	shalt  }
0x52: {  	_ =	shalt  }
0x53: {  	_ =	shalt  }
0x54: {  	_ =	shalt  }
0x55: {  	_ =	shalt  }
0x56: {  	_ =	shalt  }
0x57: {  	_ =	shalt  }
0x58: {  	_ =	shalt  }
0x59: {  	_ =	shalt  }
0x5a: {  	_ =	shalt  }
0x5b: {  	_ =	shalt  }
0x5c: {  	_ =	shalt  }
0x5d: {  	_ =	shalt  }
0x5e: {  	_ =	shalt  }
0x5f: {  	_ =	shalt  }
0x60: {  	_ =	shalt  }
0x61: {  	_ =	shalt  }
0x62: {  	_ =	shalt  }
0x63: {  	_ =	shalt  }
0x64: {  	_ =	shalt  }
0x65: {  	_ =	shalt  }
0x66: {  	_ =	shalt  }
0x67: {  	_ =	shalt  }
0x68: {  	_ =	shalt  }
0x69: {  	_ =	shalt  }
0x6a: {  	_ =	shalt  }
0x6b: {  	_ =	shalt  }
0x6c: {  	_ =	shalt  }
0x6d: {  	_ =	shalt  }
0x6e: {  	_ =	shalt  }
0x6f: {  	_ =	shalt  }
0x70: {  	_ =	shalt  }
0x71: {  	_ =	shalt  }
0x72: {  	_ =	shalt  }
0x73: {  	_ =	shalt  }
0x74: {  	_ =	shalt  }
0x75: {  	_ =	shalt  }
0x76: {  	_ =	shalt  }
0x77: {  	_ =	shalt  }
0x78: {  	_ =	shalt  }
0x79: {  	_ =	shalt  }
0x7a: {  	_ =	shalt  }
0x7b: {  	_ =	shalt  }
0x7c: {  	_ =	shalt  }
0x7d: {  	_ =	shalt  }
0x7e: {  	_ =	shalt  }
0x7f: {  	_ =	shalt  }
0x80: {  	_ =	shalt  }
0x81: {  	_ =	shalt  }
0x82: {  	_ =	shalt  }
0x83: {  	_ =	shalt  }
0x84: {  	_ =	shalt  }
0x85: {  	_ =	shalt  }
0x86: {  	_ =	shalt  }
0x87: {  	_ =	shalt  }
.Lfunc_end0:
.L_simem_size_0:
called_computation.2_lowered:
.L_overlay_start_0:
0x88: {  	s2 =	sld [smem:$0x3FD9]  }
0x89: {  	s3 =	sld [smem:$0x3FFE];
	_ =	sdelay $0x1  }
0x8a: {  	s1 =	srdreg.scid  }
0x8b: {  	s0 =	sand.u32 $0x1, s1  }
0x8c: {  	s17 =	sshll.u32 s0, $0xA;
	s2 =	sadd.s32 s3, s2  }
0x8d: {  	s2 =	sadd.s32 s2, s17  }
0x8e: {  	[smem:$0x3FC2] =	sst s2  }
0x8f: {  	_ = 	snop  }
0x90: {  	s2 =	sld [smem:$0x3FD0];
	(tm) =	ssettm $0x1  }
0x91: {  	s18 =	sld [smem:$0x3FFB];
	_ =	sdelay $0x3  }
0x92: {  	_ =	strace s18  }
0x93: {  	s3 =	sld [smem:$0x3FFC];
	_ =	sdelay $0x3  }
0x94: {  	_ =	strace s3  }
0x95: {  	s3 =	sld [smem:$0x3FFD];
	_ =	sdelay $0x3  }
0x96: {  	_ =	strace s3  }
0x97: {  	_ =	strace $0x8FFFFFFF  }
0x98: {  	s19 =	sld [smem:$0x3FDB];
	_ =	sdelay $0x1  }
0x99: {  	s4 =	simm.s32 $_scs_section_size  }
0x9a: {  	s5 =	simm.s32 $_size__tile_overlayer_lowered;
	s6 =	simm.s32 $_tile_overlayer_lowered  }
0x9b: {  	s22 =	simm.s32 $0x1BFF;
	s21 =	sshll.u32 s6, $0x1;
	s3 =	sadd.s32 s4, s19  }
0x9c: {  	s7 =	simm.s32 $0x0;
	s20 =	sshll.u32 s5, $0x1;
	s5 =	sadd.s32 s21, s3  }
0x9d: {  	[timem:s7], [sflag:s22] =	dma.local [hbm:s5], s20  }
0x9e: {  	_ =	swait.ge [sflag:s22], s20  }
0x9f: {  	s4 =	ssub.s32 $0x0, s20;
	[sflag:s22] =	ssyncset.done $0x0  }
0xa0: {  	[sflag:s22] =	ssyncadd.s32 s4;
	_ =	sdelay $0x1  }
0xa1: {  	s23 =	simm.s32 $0x1B8B  }
0xa2: {  	_ =	swait.ge [sflag:s23], $0x1  }
0xa3: {  	[sflag:s23] =	ssyncset.done $0x0  }
0xa4: {  	s25 =	simm.s32 $0x1B8E;
	s24 =	sld [smem:$0x3FFE];
	[sflag:s23] =	ssyncadd.s32 $0xFFFFFFFF  }
0xa5: {  	s26 =	simm.s32 $execute0_lowered;
	[smem:$0x3FD2] =	sst s25  }
0xa6: {  	s5 =	sshll.u32 s26, $0x1;
	_ =	strace $0x8000004C;
	[dreg:$0x1] =	wrdreg $0xFFFFFFFF  }
0xa7: {  	s28 =	simm.s32 $_size_execute0_lowered;
	s3 =	sadd.s32 s3, s5;
	[dreg:$0x0] =	wrdreg $0x0  }
0xa8: {  	s5 =	sshll.u32 s28, $0x1;
	[dreg:$0x2] =	wrdreg s3  }
0xa9: {  	[dreg:$0x3] =	wrdreg s5  }
0xaa: {  	[dreg:$0x4] =	wrdreg $0xC0  }
0xab: {  	_ =	task [dreg:s7], $0x5FFFF  }
0xac: {  	[dreg:$0x1] =	wrdreg $0xFFFFFFFF  }
0xad: {  	[dreg:$0x0] =	wrdreg $0x60  }
0xae: {  	[dreg:$0x2] =	wrdreg s2  }
0xaf: {  	[dreg:$0x3] =	wrdreg s24  }
0xb0: {  	[dreg:$0x4] =	wrdreg $0x29000  }
0xb1: {  	[dreg:$0x5] =	wrdreg $0x9  }
0xb2: {  	_ =	task.clear_ibuf [dreg:s7], $0x6FFFF;
	_ =	strace $0x9000004C  }
0xb3: {  	s29 =	simm.s32 $0x9;
	_ =	strace $0x8000004E  }
0xb4: {  	_ =	swait.ge [sflag:s29], $0x1  }
0xb5: {  	[sflag:s29] =	ssyncadd.s32 $0xFFFFFFFF  }
0xb6: {  	_ =	strace $0x9000004E  }
0xb7: {  	_ =	sfence  }
0xb8: {  	s30 =	sld [smem:$0x0];
	_ =	sdelay $0x2  }
0xb9: {  	s31 =	sshll.u32 s1, $0xD;
	s1 =	sshrl.u32 s1, $0x2  }
0xba: {  	s3 =	sand.u32 $0x4000, s31;
	s1 =	sadd.s32 s1, s30  }
0xbb: {  	s0 =	sor.u32 s3, s0;
	s1 =	sshll.u32 s1, $0x11  }
0xbc: {  	s0 =	sor.u32 s1, s0  }
0xbd: {  	s0 =	sadd.s32 $0x8F2B, s0  }
0xbe: {  	[sflag:s0] =	ssyncadd.remote.s32 $0x1  }
0xbf: {  	_ =	sfence.sel $0xFFFF  }
0xc0: {  	[dreg:$0x0] =	wrdreg $0xFFFFFFFF;
	(pc) =	sbr.abs _section_cstart, $3  }
0xc1: {  	[dreg:$0x1] =	wrdreg $0xFFFFFFFF  }
0xc2: {  	_ =	task.clear_ibuf [dreg:s7], $0x2FFFF;
	_ =	strace $0x9FFFFFFF  }
0xc3: {  	(tm) =	ssettm $0x7FFFFFFF  }
tec
execute0_lowered:
.L_overlay_start_1:
0x0: {  	(tag) =	ssettag $0x1  }
0x1: {  	s1 =	rddreg [dreg:$0x0]  }
0x2: {  	s5 =	rddreg [dreg:$0x1]  }
0x3: {  	s0 =	srdreg.scid;
	s3 =	rddreg [dreg:$0x2]  }
0x4: {  	s2 =	rddreg [dreg:$0x3];
	s4 =	simm.s32 $0x0;
	s6 =	sand.u32 $0x1, s0  }
0x5: {  	s17 =	simm.s32 $0x100;
	s0 =	stileid.u32;
	s7 =	smul.u32 $0x27100, s6  }
0x6: {  	s18 =	simm.s32 $0x2;
	s19 =	simm.s32 $0x80;
	s8 =	smul.u32 $0x2710, s0  }
0x7: {  	s20 =	simm.s32 $0x50;
	s21 =	simm.s32 $0x1;
	s9 =	smul.u32 $0x140000, s6  }
0x8: {  	s22 =	simm.s32 $0x0;
	[smem:$0x7FF] =	sst s4;
	s25 =	smul.u32 $0x14000, s0  }
0x9: {  	_ =	strace $0x8000004D;
	s6 =	ssub.s32 $0x2, s6;
	s26 =	smul.u32 $0x50000, s0  }
0xa: {  	s29 =	sshrl.u32 s6, $0x1;
	s7 =	sadd.s32 s8, s7;
	s8 =	sadd.s32 s25, s9  }
0xb: {  	s30 =	ssub.s32 s6, s29;
	s31 =	sshrl.u32 s26, $0x2;
	s7 =	sshrl.u32 s7, $0x3  }
0xc: {  	s28 =	sshrl.u32 s8, $0x3;
	s6 =	sadd.s32 s31, s3;
	s16 =	sadd.s32 s7, s5  }
0xd: {  	s5 =	sadd.s32 s28, s5;
	s7 =	smax.u32 s30, $0x1;
	s8 =	sadd.s32 $0x2800, s6  }
0xe: {  	s9 =	sadd.s32 $0x5000, s6;
	s10 =	sadd.s32 $0x7800, s6;
	s11 =	sadd.s32 $0xA000, s6  }
0xf: {  	s12 =	sadd.s32 $0xC800, s6;
	s13 =	sadd.s32 $0xF000, s6;
	s14 =	sadd.s32 $0x11800, s6  }
0x10: {  	v0 =	vimm.f32 $0.0e+00;
	s5 =	sadd.s32 $0x16400, s5;
	s15 =	sadd.s32 $0xC600, s16;
	s16 =	sadd.s32 $0x2800, s16  }
.LBB2_1:
0x11: {  	s23 =	simm.s32 $0x70;
	s24 =	simm.s32 $0x3C0  }
.LBB2_2:
0x12: {  	p0 =	sne.s32 s24, $0x9FC0;
	[tilespmem:s23+$0x100] =	vst v0  }
0x13: {  	[tilespmem:s23+$0x90] =	vst v0  }
0x14: {  	[tilespmem:s23+$0xA0] =	vst v0  }
.Ltmp0:
0x15: {  	[tilespmem:s23+$0xB0] =	vst v0;
	(pc) =	sbr.rel @p0 .LBB2_2-.Ltmp0, $4  }
0x16: {  	[tilespmem:s23+$0xC0] =	vst v0  }
0x17: {  	[tilespmem:s23+$0xD0] =	vst v0  }
0x18: {  	[tilespmem:s23+$0xE0] =	vst v0  }
0x19: {  	[tilespmem:s23+$0xF0] =	vst v0;
	s23 =	sshra.s32 s24, $0x2;
	s24 =	sadd.s32 $0x200, s24  }
0x1a: {  	[tilespmem:s23+$0x100] =	vst v0  }
0x1b: {  	[tilespmem:s23+$0x90] =	vst v0  }
0x1c: {  	[tilespmem:s23+$0xA0] =	vst v0  }
0x1d: {  	[tilespmem:s23+$0xB0] =	vst v0  }
0x1e: {  	[tilespmem:s23+$0xC0] =	vst v0  }
0x1f: {  	[tilespmem:s23+$0xD0] =	vst v0  }
0x20: {  	[tilespmem:s23+$0xE0] =	vst v0  }
0x21: {  	[tilespmem:s23+$0xF0] =	vst v0  }
0x22: {  	[spmem:s6] =	stream.linear.scatter [tilespmem:s17], [sflag:$0x2], $0x2800, $0x38;
	[tilespmem:$0x16900] =	vst v63  }
0x23: {  	_ =	swait.ge [sflag:s18], $0x2800  }
0x24: {  	[sflag:s18] =	ssyncset.done $0x0  }
0x25: {  	[sflag:s18] =	ssyncadd.s32 $0xFFFFD800  }
0x26: {  	[spmem:s8] =	stream.linear.scatter [tilespmem:s17], [sflag:$0x2], $0x2800, $0x38;
	[tilespmem:$0x16900] =	vst v63  }
0x27: {  	_ =	swait.ge [sflag:s18], $0x2800  }
0x28: {  	[sflag:s18] =	ssyncset.done $0x0  }
0x29: {  	[sflag:s18] =	ssyncadd.s32 $0xFFFFD800  }
0x2a: {  	[spmem:s9] =	stream.linear.scatter [tilespmem:s17], [sflag:$0x2], $0x2800, $0x38;
	[tilespmem:$0x16900] =	vst v63  }
0x2b: {  	_ =	swait.ge [sflag:s18], $0x2800  }
0x2c: {  	[sflag:s18] =	ssyncset.done $0x0  }
0x2d: {  	[sflag:s18] =	ssyncadd.s32 $0xFFFFD800  }
0x2e: {  	[spmem:s10] =	stream.linear.scatter [tilespmem:s17], [sflag:$0x2], $0x2800, $0x38;
	[tilespmem:$0x16900] =	vst v63  }
0x2f: {  	_ =	swait.ge [sflag:s18], $0x2800  }
0x30: {  	[sflag:s18] =	ssyncset.done $0x0  }
0x31: {  	[sflag:s18] =	ssyncadd.s32 $0xFFFFD800  }
0x32: {  	[spmem:s11] =	stream.linear.scatter [tilespmem:s17], [sflag:$0x2], $0x2800, $0x38;
	[tilespmem:$0x16900] =	vst v63  }
0x33: {  	_ =	swait.ge [sflag:s18], $0x2800  }
0x34: {  	[sflag:s18] =	ssyncset.done $0x0  }
0x35: {  	[sflag:s18] =	ssyncadd.s32 $0xFFFFD800  }
0x36: {  	[spmem:s12] =	stream.linear.scatter [tilespmem:s17], [sflag:$0x2], $0x2800, $0x38;
	[tilespmem:$0x16900] =	vst v63  }
0x37: {  	_ =	swait.ge [sflag:s18], $0x2800  }
0x38: {  	[sflag:s18] =	ssyncset.done $0x0  }
0x39: {  	[sflag:s18] =	ssyncadd.s32 $0xFFFFD800  }
0x3a: {  	[spmem:s13] =	stream.linear.scatter [tilespmem:s17], [sflag:$0x2], $0x2800, $0x38;
	[tilespmem:$0x16900] =	vst v63  }
0x3b: {  	_ =	swait.ge [sflag:s18], $0x2800  }
0x3c: {  	[sflag:s18] =	ssyncset.done $0x0  }
0x3d: {  	[sflag:s18] =	ssyncadd.s32 $0xFFFFD800  }
0x3e: {  	[spmem:s14] =	stream.linear.scatter [tilespmem:s17], [sflag:$0x2], $0x2800, $0x38;
	[tilespmem:$0x16900] =	vst v63  }
0x3f: {  	_ =	swait.ge [sflag:s18], $0x2800  }
0x40: {  	[sflag:s18] =	ssyncset.done $0x0  }
0x41: {  	[sflag:s18] =	ssyncadd.s32 $0xFFFFD800  }
0x42: {  	s30 =	sadd.s32 $0x0, s16;
	[bflag:$0x0] =	sbarrier.arrive $0xFFFF  }
0x43: {  	[tilespmem:s4], [sflag:$0x2] =	stream.linear.gather [hbm4b:s30+s4], $0x50, $0x38;
	[tilespmem:$0x16900] =	vst v63  }
0x44: {  	_ =	swait.ge [sflag:s18], $0x50  }
0x45: {  	[sflag:s18] =	ssyncset.done $0x0  }
0x46: {  	s31 =	sadd.s32 $0x0, s15;
	[sflag:s18] =	ssyncadd.s32 $0xFFFFFFB0  }
0x47: {  	[tilespmem:s19], [sflag:$0x2] =	stream.linear.gather [hbm4b:s31+s4], $0x50, $0x38;
	[tilespmem:$0x16900] =	vst v63  }
0x48: {  	_ =	swait.ge [sflag:s18], $0x50  }
0x49: {  	[sflag:s18] =	ssyncset.done $0x0  }
0x4a: {  	[sflag:s18] =	ssyncadd.s32 $0xFFFFFFB0  }
0x4b: {  	[tilespmem:s17], [sflag:$0x1] =	stream.indirect.gather [hbm4b:s1+s20], $0x80, s4, s20, $0xb8;
	[tilespmem:$0x16900] =	vst v63  }
0x4c: {  	_ =	swait.ge [sflag:s21], $0x2800  }
0x4d: {  	[sflag:s21] =	ssyncset.done $0x0  }
0x4e: {  	[sflag:s21] =	ssyncadd.s32 $0xFFFFD800  }
0x4f: {  	[spmem:s3] =	stream.indirect.scatter.add.f32 [tilespmem:s17], [sflag:$0x2], $0x80, s19, s20, $0xb8;
	[tilespmem:$0x16900] =	vst v63  }
0x50: {  	_ =	swait.ge [sflag:s18], $0x2800  }
0x51: {  	s23 =	simm.s32 $0xA;
	s24 =	simm.s32 $0x14;
	[sflag:s18] =	ssyncset.done $0x0  }
.LBB2_4:
0x52: {  	s25 =	sadd.s32 s23, s16  }
0x53: {  	[sflag:s18] =	ssyncadd.s32 $0xFFFFD800;
	s26 =	smov.u32 s24;
	s28 =	sadd.s32 $0xA, s24  }
0x54: {  	[tilespmem:s4], [sflag:$0x2] =	stream.linear.gather [hbm4b:s25+s4], $0x50, $0x38;
	[tilespmem:$0x16900] =	vst v63  }
0x55: {  	p0 =	sne.s32 s24, $0x4D8;
	_ =	swait.ge [sflag:s18], $0x50  }
0x56: {  	[sflag:s18] =	ssyncset.done $0x0  }
0x57: {  	s24 =	sadd.s32 s23, s15;
	s23 =	smov.u32 s26;
	[sflag:s18] =	ssyncadd.s32 $0xFFFFFFB0  }
0x58: {  	[tilespmem:s19], [sflag:$0x2] =	stream.linear.gather [hbm4b:s24+s4], $0x50, $0x38;
	[tilespmem:$0x16900] =	vst v63  }
0x59: {  	_ =	swait.ge [sflag:s18], $0x50  }
0x5a: {  	[sflag:s18] =	ssyncset.done $0x0  }
0x5b: {  	[sflag:s18] =	ssyncadd.s32 $0xFFFFFFB0  }
0x5c: {  	[tilespmem:s17], [sflag:$0x1] =	stream.indirect.gather [hbm4b:s1+s20], $0x80, s4, s20, $0xb8;
	[tilespmem:$0x16900] =	vst v63  }
0x5d: {  	_ =	swait.ge [sflag:s21], $0x2800  }
.Ltmp1:
0x5e: {  	[sflag:s21] =	ssyncset.done $0x0;
	(pc) =	sbr.rel @p0 .LBB2_4-.Ltmp1, $4  }
0x5f: {  	[sflag:s21] =	ssyncadd.s32 $0xFFFFD800  }
0x60: {  	[spmem:s3] =	stream.indirect.scatter.add.f32 [tilespmem:s17], [sflag:$0x2], $0x80, s19, s20, $0xb8;
	[tilespmem:$0x16900] =	vst v63  }
0x61: {  	_ =	swait.ge [sflag:s18], $0x2800  }
0x62: {  	s24 =	smov.u32 s28;
	[sflag:s18] =	ssyncset.done $0x0  }
0x63: {  	s24 =	sadd.s32 s23, s16;
	[sflag:s18] =	ssyncadd.s32 $0xFFFFD800  }
0x64: {  	[tilespmem:s4], [sflag:$0x2] =	stream.linear.gather [hbm4b:s24+s4], $0x50, $0x38;
	[tilespmem:$0x16900] =	vst v63  }
0x65: {  	_ =	swait.ge [sflag:s18], $0x50  }
0x66: {  	[sflag:s18] =	ssyncset.done $0x0  }
0x67: {  	s29 =	sadd.s32 s23, s15;
	[sflag:s18] =	ssyncadd.s32 $0xFFFFFFB0  }
0x68: {  	[tilespmem:s19], [sflag:$0x2] =	stream.linear.gather [hbm4b:s29+s4], $0x50, $0x38;
	[tilespmem:$0x16900] =	vst v63  }
0x69: {  	_ =	swait.ge [sflag:s18], $0x50  }
0x6a: {  	[sflag:s18] =	ssyncset.done $0x0  }
0x6b: {  	[sflag:s18] =	ssyncadd.s32 $0xFFFFFFB0  }
0x6c: {  	[tilespmem:s17], [sflag:$0x1] =	stream.indirect.gather [hbm4b:s1+s20], $0x80, s4, s20, $0xb8;
	[tilespmem:$0x16900] =	vst v63  }
0x6d: {  	_ =	swait.ge [sflag:s21], $0x2800  }
0x6e: {  	[sflag:s21] =	ssyncset.done $0x0  }
0x6f: {  	[sflag:s21] =	ssyncadd.s32 $0xFFFFD800  }
0x70: {  	[spmem:s3] =	stream.indirect.scatter.add.f32 [tilespmem:s17], [sflag:$0x2], $0x80, s19, s20, $0xb8;
	[tilespmem:$0x16900] =	vst v63  }
0x71: {  	_ =	swait.ge [sflag:s18], $0x2800  }
0x72: {  	s30 =	sshll.u32 s0, $0x6;
	s22 =	sadd.s32 $0x1, s22;
	[sflag:s18] =	ssyncset.done $0x0  }
0x73: {  	s31 =	sshrl.u32 s6, $0x3;
	p0 =	sne.s32 s22, s7;
	[sflag:s18] =	ssyncadd.s32 $0xFFFFD800  }
.Ltmp2:
0x74: {  	s23 =	sor.u32 $0x1C02, s30;
	[bflag:$0x0] =	sbarrier.arrive $0xFFFF;
	(pc) =	sbr.rel @p0 .LBB2_1-.Ltmp2, $4  }
0x75: {  	[hbm:s5], [sflag:s23] =	dma.local [spmem:s31], $0x2800  }
0x76: {  	_ =	swait.ge [sflag:s18], $0x2800  }
0x77: {  	[sflag:s18] =	ssyncset.done $0x0  }
0x78: {  	[sflag:s18] =	ssyncadd.s32 $0xFFFFD800  }
0x79: {  	_ =	sfence.sel $0x180000  }
0x7a: {  	[bflag:$0x0] =	sbarrier.arrive $0xFFFF  }
0x7b: {  	p0 =	sne.s32 s0, $0x0;
	_ =	strace $0x9000004D  }
0x7c: {  	s0 =	sadd.s32 @!p0 $0x100000, s2;
	[bflag:$0x2] =	sbarrier.arrive $0xFFFF  }
0x7d: {  	[sflag:s0] =	ssyncadd.tile.s32 @!p0 $0x1;
	_ =	shalt  }
.Lfunc_end2:
_tile_overlayer_lowered:
.L_overlay_start_2:
0x7e: {  	(tag) =	ssettag $0x2  }
0x7f: {  	s0 =	rddreg [dreg:$0x0];
	s2 =	stileid.u32  }
0x80: {  	s1 =	rddreg [dreg:$0x1];
	p0 =	sne.s32 s2, $0x0  }
0x81: {  	s3 =	rddreg [dreg:$0x2];
	[bflag:$0x3] =	sbarrier.arrive $0xFFFF;
	s2 =	simm.s32 @!p0 $0x1C02  }
0x82: {  	[timem:s3], [sflag:s2] =	dma.local @!p0 [hbm:s0], s1  }
0x83: {  	s0 =	simm.s32 @!p0 $0x2  }
0x84: {  	_ =	swait.ge @!p0 [sflag:s0], s1  }
0x85: {  	s1 =	ssub.s32 @!p0 $0x0, s1;
	[sflag:s0] =	ssyncset.done @!p0 $0x0  }
0x86: {  	[sflag:s0] =	ssyncadd.s32 @!p0 s1  }
0x87: {  	[bflag:$0x3] =	sbarrier.arrive $0xFFFF  }
0x88: {  	_ =	shalt  }

// kernel: kernel.8.cloned.1.call-start
scs
__scs_entry_jumppad:
0x0: {  	(pc) =	sbr.rel $0x88, $3  }
0x1: {  	(tag) =	ssettag $0x0;
	lr =	simm.s32 $0x1  }
0x2: {  	[smem:$0x3F9B] =	sst lr;
	_ =	strace $0xD0000000  }
0x3: {  	_ = 	snop  }
0x4: {  	_ = 	snop  }
0x5: {  	_ = 	snop  }
0x6: {  	_ = 	snop  }
0x7: {  	_ = 	snop  }
__scs_overlays_trampoline_lowered:
0x8: {  	[smem:$0x3FAA] =	sst s0  }
0x9: {  	[smem:$0x3FAB] =	sst s1  }
0xa: {  	[smem:$0x3FAC] =	sst s2  }
0xb: {  	[smem:$0x3FAD] =	sst s3  }
0xc: {  	[smem:$0x3FAE] =	sst s4  }
0xd: {  	[smem:$0x3FAF] =	sst s5  }
0xe: {  	[smem:$0x3FB0] =	sst s6  }
0xf: {  	[smem:$0x3FB1] =	sst s7  }
0x10: {  	[smem:$0x3FB2] =	sst s8  }
0x11: {  	[smem:$0x3FB3] =	sst s9;
	s0 =	simm.s32 @!p0 $0x0  }
0x12: {  	s1 =	sld [smem:$0x3F99];
	s0 =	simm.s32 @p0 $0x1  }
0x13: {  	[smem:$0x3FB4] =	sst s0;
	s0 =	simm.s32 @!p1 $0x0  }
0x14: {  	s2 =	sld [smem:$0x3F98];
	s0 =	simm.s32 @p1 $0x1  }
0x15: {  	[smem:$0x3FB5] =	sst s0;
	s0 =	simm.s32 @!p2 $0x0  }
0x16: {  	s3 =	sld [smem:$0x3FDB];
	s0 =	simm.s32 @p2 $0x1  }
0x17: {  	s4 =	simm.s32 $0x1BF5;
	[smem:$0x3FB7] =	sst s0  }
0x18: {  	s0 =	sld [smem:$0x3F9A];
	_ =	swait.ge [sflag:s4], $0x0  }
0x19: {  	s7 =	sld [smem:$0x3F9B]  }
0x1a: {  	s8 =	sadd.s32 $0xFFFFE003, lr  }
0x1b: {  	s9 =	sadd.s32 $0xFFFFFEF7, lr;
	s5 =	simm.s32 $0xFFFFFFFF;
	p2 =	slt.u32 s8, $0xFFFFF086  }
0x1c: {  	p1 =	slt.u32 s9, $0xF7A;
	s5 =	simm.s32 @!p2 $0x0  }
0x1d: {  	s5 =	simm.s32 @p1 $0x1;
	p0 =	seq.s32 s7, s2  }
0x1e: {  	s7 =	smul.u32 @!p0 $0xF7A, s2;
	p2 =	seq.s32 @!p0 s5, $0x0  }
0x1f: {  	s9 =	smul.u32 $0xF7A, s1;
	s8 =	simm.s32 @!p0 $0x1BF5;
	p2 =	por !p2, p0  }
0x20: {  	[sflag:s8] =	ssyncset.s32 @!p0 $0xFFFFF086;
	s6 =	sadd.s32 @!p0 s3, s7;
	s7 =	simm.s32 @!p0 $0x108  }
0x21: {  	s3 =	sadd.s32 s3, s9;
	s6 =	sadd.s32 @!p0 $0x88, s6;
	s7 =	simm.s32 @p2 $0x1082  }
0x22: {  	[simem:s7], [sflag:s8] =	dma.local @!p0 [hbm:s6], $0xF7A  }
0x23: {  	s9 =	sor.u32 $0xD0000000, s2;
	s6 =	simm.s32 $0x108;
	_ =	swait.ge @!p0 [sflag:s8], $0x0  }
0x24: {  	s3 =	sadd.s32 $0x88, s3;
	s6 =	simm.s32 @!p1 $0x1082;
	[sflag:s4] =	ssyncset.s32 $0xFFFFF086  }
0x25: {  	[simem:s6], [sflag:s4] =	dma.local [hbm:s3], $0xF7A  }
0x26: {  	[smem:$0x3F9B] =	sst s1;
	(tag) =	ssettag s2;
	_ =	strace s9  }
0x27: {  	s1 =	sld [smem:$0x3FAB]  }
0x28: {  	s2 =	sld [smem:$0x3FAC]  }
0x29: {  	s4 =	sld [smem:$0x3FAE]  }
0x2a: {  	p0 =	seq.s32 s5, $0x0;
	s5 =	sld [smem:$0x3FAF]  }
0x2b: {  	s6 =	sld [smem:$0x3FB0]  }
0x2c: {  	s7 =	sld [smem:$0x3FB1]  }
0x2d: {  	s3 =	simm.s32 $0x108;
	s8 =	sld [smem:$0x3FB2]  }
0x2e: {  	s3 =	simm.s32 @!p0 $0x1082;
	s9 =	sld [smem:$0x3FB3]  }
0x2f: {  	lr =	sadd.s32 s0, s3;
	s0 =	sld [smem:$0x3FAA]  }
0x30: {  	s3 =	sld [smem:$0x3FAD]  }
0x31: {  	[smem:$0x3FB6] =	sst s10  }
0x32: {  	s10 =	sld [smem:$0x3FB4];
	_ =	sdelay $0x3  }
0x33: {  	p0 =	seq.s32 s10, $0x1;
	s10 =	sld [smem:$0x3FB6];
	_ =	sdelay $0x3  }
0x34: {  	[smem:$0x3FB6] =	sst s10  }
0x35: {  	s10 =	sld [smem:$0x3FB5];
	_ =	sdelay $0x3  }
0x36: {  	p1 =	seq.s32 s10, $0x1;
	s10 =	sld [smem:$0x3FB6];
	_ =	sdelay $0x3  }
0x37: {  	[smem:$0x3FB6] =	sst s10  }
0x38: {  	s10 =	sld [smem:$0x3FB7]  }
0x39: {  	_ = 	snop;
	(pc) =	sbr.ind lr, $3  }
0x3a: {  	_ = 	snop  }
0x3b: {  	_ = 	snop  }
0x3c: {  	p2 =	seq.s32 s10, $0x1;
	s10 =	sld [smem:$0x3FB6]  }
0x3d: {  	_ =	shalt  }
0x3e: {  	_ =	shalt  }
0x3f: {  	_ =	shalt  }
0x40: {  	_ =	shalt  }
0x41: {  	_ =	shalt  }
0x42: {  	_ =	shalt  }
0x43: {  	_ =	shalt  }
0x44: {  	_ =	shalt  }
0x45: {  	_ =	shalt  }
0x46: {  	_ =	shalt  }
0x47: {  	_ =	shalt  }
0x48: {  	_ =	shalt  }
0x49: {  	_ =	shalt  }
0x4a: {  	_ =	shalt  }
0x4b: {  	_ =	shalt  }
0x4c: {  	_ =	shalt  }
0x4d: {  	_ =	shalt  }
0x4e: {  	_ =	shalt  }
0x4f: {  	_ =	shalt  }
0x50: {  	_ =	shalt  }
0x51: {  	_ =	shalt  }
0x52: {  	_ =	shalt  }
0x53: {  	_ =	shalt  }
0x54: {  	_ =	shalt  }
0x55: {  	_ =	shalt  }
0x56: {  	_ =	shalt  }
0x57: {  	_ =	shalt  }
0x58: {  	_ =	shalt  }
0x59: {  	_ =	shalt  }
0x5a: {  	_ =	shalt  }
0x5b: {  	_ =	shalt  }
0x5c: {  	_ =	shalt  }
0x5d: {  	_ =	shalt  }
0x5e: {  	_ =	shalt  }
0x5f: {  	_ =	shalt  }
0x60: {  	_ =	shalt  }
0x61: {  	_ =	shalt  }
0x62: {  	_ =	shalt  }
0x63: {  	_ =	shalt  }
0x64: {  	_ =	shalt  }
0x65: {  	_ =	shalt  }
0x66: {  	_ =	shalt  }
0x67: {  	_ =	shalt  }
0x68: {  	_ =	shalt  }
0x69: {  	_ =	shalt  }
0x6a: {  	_ =	shalt  }
0x6b: {  	_ =	shalt  }
0x6c: {  	_ =	shalt  }
0x6d: {  	_ =	shalt  }
0x6e: {  	_ =	shalt  }
0x6f: {  	_ =	shalt  }
0x70: {  	_ =	shalt  }
0x71: {  	_ =	shalt  }
0x72: {  	_ =	shalt  }
0x73: {  	_ =	shalt  }
0x74: {  	_ =	shalt  }
0x75: {  	_ =	shalt  }
0x76: {  	_ =	shalt  }
0x77: {  	_ =	shalt  }
0x78: {  	_ =	shalt  }
0x79: {  	_ =	shalt  }
0x7a: {  	_ =	shalt  }
0x7b: {  	_ =	shalt  }
0x7c: {  	_ =	shalt  }
0x7d: {  	_ =	shalt  }
0x7e: {  	_ =	shalt  }
0x7f: {  	_ =	shalt  }
0x80: {  	_ =	shalt  }
0x81: {  	_ =	shalt  }
0x82: {  	_ =	shalt  }
0x83: {  	_ =	shalt  }
0x84: {  	_ =	shalt  }
0x85: {  	_ =	shalt  }
0x86: {  	_ =	shalt  }
0x87: {  	_ =	shalt  }
.Lfunc_end0:
.L_simem_size_0:
called_computation_lowered:
.L_overlay_start_0:
0x88: {  	s2 =	sld [smem:$0x3FD9]  }
0x89: {  	s3 =	sld [smem:$0x3FFE];
	_ =	sdelay $0x1  }
0x8a: {  	s1 =	srdreg.scid  }
0x8b: {  	s0 =	sand.u32 $0x1, s1  }
0x8c: {  	s17 =	sshll.u32 s0, $0xA;
	s2 =	sadd.s32 s3, s2  }
0x8d: {  	s2 =	sadd.s32 s2, s17  }
0x8e: {  	[smem:$0x3FC2] =	sst s2  }
0x8f: {  	_ = 	snop  }
0x90: {  	s2 =	sld [smem:$0x3FD0];
	(tm) =	ssettm $0x1  }
0x91: {  	s18 =	sld [smem:$0x3FFB];
	_ =	sdelay $0x3  }
0x92: {  	_ =	strace s18  }
0x93: {  	s3 =	sld [smem:$0x3FFC];
	_ =	sdelay $0x3  }
0x94: {  	_ =	strace s3  }
0x95: {  	s3 =	sld [smem:$0x3FFD];
	_ =	sdelay $0x3  }
0x96: {  	_ =	strace s3  }
0x97: {  	_ =	strace $0x8FFFFFFF  }
0x98: {  	s19 =	sld [smem:$0x3FDB];
	_ =	sdelay $0x1  }
0x99: {  	s4 =	simm.s32 $_scs_section_size  }
0x9a: {  	s5 =	simm.s32 $_size__tile_overlayer_lowered;
	s6 =	simm.s32 $_tile_overlayer_lowered  }
0x9b: {  	s22 =	simm.s32 $0x1BFF;
	s21 =	sshll.u32 s6, $0x1;
	s3 =	sadd.s32 s4, s19  }
0x9c: {  	s7 =	simm.s32 $0x0;
	s20 =	sshll.u32 s5, $0x1;
	s5 =	sadd.s32 s21, s3  }
0x9d: {  	[timem:s7], [sflag:s22] =	dma.local [hbm:s5], s20  }
0x9e: {  	_ =	swait.ge [sflag:s22], s20  }
0x9f: {  	s4 =	ssub.s32 $0x0, s20;
	[sflag:s22] =	ssyncset.done $0x0  }
0xa0: {  	[sflag:s22] =	ssyncadd.s32 s4;
	_ =	sdelay $0x1  }
0xa1: {  	s23 =	simm.s32 $0x1B8B  }
0xa2: {  	_ =	swait.ge [sflag:s23], $0x1  }
0xa3: {  	[sflag:s23] =	ssyncset.done $0x0  }
0xa4: {  	s25 =	simm.s32 $0x1B8E;
	s24 =	sld [smem:$0x3FFE];
	[sflag:s23] =	ssyncadd.s32 $0xFFFFFFFF  }
0xa5: {  	s26 =	simm.s32 $execute0_lowered;
	[smem:$0x3FD2] =	sst s25  }
0xa6: {  	s5 =	sshll.u32 s26, $0x1;
	_ =	strace $0x80000046;
	[dreg:$0x1] =	wrdreg $0xFFFFFFFF  }
0xa7: {  	s28 =	simm.s32 $_size_execute0_lowered;
	s3 =	sadd.s32 s3, s5;
	[dreg:$0x0] =	wrdreg $0x0  }
0xa8: {  	s5 =	sshll.u32 s28, $0x1;
	[dreg:$0x2] =	wrdreg s3  }
0xa9: {  	[dreg:$0x3] =	wrdreg s5  }
0xaa: {  	[dreg:$0x4] =	wrdreg $0xC0  }
0xab: {  	_ =	task [dreg:s7], $0x5FFFF  }
0xac: {  	[dreg:$0x1] =	wrdreg $0xFFFFFFFF  }
0xad: {  	[dreg:$0x0] =	wrdreg $0x60  }
0xae: {  	[dreg:$0x2] =	wrdreg s24  }
0xaf: {  	[dreg:$0x3] =	wrdreg s2  }
0xb0: {  	[dreg:$0x4] =	wrdreg $0x3800  }
0xb1: {  	[dreg:$0x5] =	wrdreg $0x9  }
0xb2: {  	_ =	task.clear_ibuf [dreg:s7], $0x6FFFF;
	_ =	strace $0x90000046  }
0xb3: {  	s29 =	simm.s32 $0x9;
	_ =	strace $0x80000048  }
0xb4: {  	_ =	swait.ge [sflag:s29], $0x1  }
0xb5: {  	[sflag:s29] =	ssyncadd.s32 $0xFFFFFFFF  }
0xb6: {  	_ =	strace $0x90000048  }
0xb7: {  	_ =	sfence  }
0xb8: {  	s30 =	sld [smem:$0x0];
	_ =	sdelay $0x2  }
0xb9: {  	s31 =	sshll.u32 s1, $0xD;
	s1 =	sshrl.u32 s1, $0x2  }
0xba: {  	s3 =	sand.u32 $0x4000, s31;
	s1 =	sadd.s32 s1, s30  }
0xbb: {  	s0 =	sor.u32 s3, s0;
	s1 =	sshll.u32 s1, $0x11  }
0xbc: {  	s0 =	sor.u32 s1, s0  }
0xbd: {  	s0 =	sadd.s32 $0x8F2B, s0  }
0xbe: {  	[sflag:s0] =	ssyncadd.remote.s32 $0x1  }
0xbf: {  	_ =	sfence.sel $0xFFFF  }
0xc0: {  	[dreg:$0x0] =	wrdreg $0xFFFFFFFF;
	(pc) =	sbr.abs _section_cstart, $3  }
0xc1: {  	[dreg:$0x1] =	wrdreg $0xFFFFFFFF  }
0xc2: {  	_ =	task.clear_ibuf [dreg:s7], $0x2FFFF;
	_ =	strace $0x9FFFFFFF  }
0xc3: {  	(tm) =	ssettm $0x7FFFFFFF  }
tec
execute0_lowered:
.L_overlay_start_1:
0x0: {  	(tag) =	ssettag $0x1  }
0x1: {  	s4 =	rddreg [dreg:$0x0]  }
0x2: {  	s5 =	rddreg [dreg:$0x1];
	s0 =	srdreg.scid  }
0x3: {  	s2 =	rddreg [dreg:$0x2];
	s1 =	stileid.u32  }
0x4: {  	s3 =	simm.s32 $0x0;
	s11 =	simm.s32 $0x80;
	s14 =	simm.s32 $0x20  }
0x5: {  	s15 =	simm.s32 $0x10;
	s16 =	simm.s32 $0x0;
	s8 =	smul.u32 $0x2710, s1  }
0x6: {  	s6 =	sand.u32 $0x1, s0;
	s0 =	rddreg [dreg:$0x3];
	s28 =	smul.u32 $0x500, s1  }
0x7: {  	[smem:$0x7FF] =	sst s3;
	s9 =	smul.u32 $0xA00, s1;
	s12 =	sshll.u32 s1, $0x6  }
0x8: {  	s7 =	smul.u32 $0x27100, s6;
	_ =	strace $0x80000047;
	s10 =	sshll.u32 s6, $0x7  }
0x9: {  	s29 =	ssub.s32 $0x2, s6;
	s12 =	sor.u32 $0x1C01, s12;
	s30 =	sor.u32 s10, s28  }
0xa: {  	s31 =	sshrl.u32 s29, $0x1;
	s9 =	sshrl.u32 s9, $0x2;
	s10 =	simm.s32 $0x50  }
0xb: {  	s7 =	sadd.s32 s8, s7;
	s6 =	sshrl.u32 s30, $0x3;
	s8 =	ssub.s32 s29, s31  }
0xc: {  	s7 =	sshrl.u32 s7, $0x3;
	s5 =	sadd.s32 s5, s6;
	s6 =	smax.u32 s8, $0x1  }
0xd: {  	s8 =	simm.s32 $0x100;
	s7 =	sadd.s32 s7, s4;
	s4 =	sadd.s32 s9, s2  }
0xe: {  	v0 =	vimm.f32 $0.0e+00;
	v1 =	vimm.f32 $1.000000000e+00;
	s9 =	simm.s32 $0x1;
	s7 =	sadd.s32 $0xC600, s7;
	s13 =	sshrl.u32 s4, $0x3  }
.LBB2_1:
0xf: {  	[tilespmem:$0x100] =	vst v0  }
0x10: {  	[tilespmem:$0x110] =	vst v0  }
0x11: {  	[tilespmem:$0x120] =	vst v0  }
0x12: {  	[tilespmem:$0x130] =	vst v0  }
0x13: {  	[tilespmem:$0x140] =	vst v0  }
0x14: {  	[tilespmem:$0x150] =	vst v0  }
0x15: {  	[tilespmem:$0x160] =	vst v0  }
0x16: {  	[tilespmem:$0x170] =	vst v0  }
0x17: {  	[tilespmem:$0x180] =	vst v0  }
0x18: {  	[tilespmem:$0x190] =	vst v0  }
0x19: {  	[tilespmem:$0x1A0] =	vst v0  }
0x1a: {  	[tilespmem:$0x1B0] =	vst v0  }
0x1b: {  	[tilespmem:$0x1C0] =	vst v0  }
0x1c: {  	[tilespmem:$0x1D0] =	vst v0  }
0x1d: {  	[tilespmem:$0x1E0] =	vst v0  }
0x1e: {  	[tilespmem:$0x1F0] =	vst v0  }
0x1f: {  	[tilespmem:$0x200] =	vst v0  }
0x20: {  	[tilespmem:$0x210] =	vst v0  }
0x21: {  	[tilespmem:$0x220] =	vst v0  }
0x22: {  	[tilespmem:$0x230] =	vst v0  }
0x23: {  	[tilespmem:$0x240] =	vst v0  }
0x24: {  	[tilespmem:$0x250] =	vst v0  }
0x25: {  	[tilespmem:$0x260] =	vst v0  }
0x26: {  	[tilespmem:$0x270] =	vst v0  }
0x27: {  	[tilespmem:$0x280] =	vst v0  }
0x28: {  	[tilespmem:$0x290] =	vst v0  }
0x29: {  	[tilespmem:$0x2A0] =	vst v0  }
0x2a: {  	[tilespmem:$0x2B0] =	vst v0  }
0x2b: {  	[tilespmem:$0x2C0] =	vst v0  }
0x2c: {  	[tilespmem:$0x2D0] =	vst v0  }
0x2d: {  	[tilespmem:$0x2E0] =	vst v0  }
0x2e: {  	[tilespmem:$0x2F0] =	vst v0  }
0x2f: {  	[tilespmem:$0x300] =	vst v0  }
0x30: {  	[tilespmem:$0x310] =	vst v0  }
0x31: {  	[tilespmem:$0x320] =	vst v0  }
0x32: {  	[tilespmem:$0x330] =	vst v0  }
0x33: {  	[tilespmem:$0x340] =	vst v0  }
0x34: {  	[tilespmem:$0x350] =	vst v0  }
0x35: {  	[tilespmem:$0x360] =	vst v0  }
0x36: {  	[tilespmem:$0x370] =	vst v0  }
0x37: {  	[tilespmem:$0x80] =	vst v1  }
0x38: {  	[tilespmem:$0x90] =	vst v1  }
0x39: {  	[tilespmem:$0xA0] =	vst v1  }
0x3a: {  	[tilespmem:$0xB0] =	vst v1  }
0x3b: {  	[tilespmem:$0xC0] =	vst v1  }
0x3c: {  	[spmem:s4] =	stream.linear.scatter [tilespmem:s8], [sflag:$0x1], $0x280, $0x38;
	[tilespmem:$0x600] =	vst v63  }
0x3d: {  	_ =	swait.ge [sflag:s9], $0x280  }
0x3e: {  	[sflag:s9] =	ssyncset.done $0x0  }
0x3f: {  	[sflag:s9] =	ssyncadd.s32 $0xFFFFFD80  }
0x40: {  	s17 =	sadd.s32 $0x0, s7;
	[bflag:$0x0] =	sbarrier.arrive $0xFFFF  }
0x41: {  	[tilespmem:s3], [sflag:$0x1] =	stream.linear.gather [hbm4b:s17+s3], $0x50, $0x38;
	[tilespmem:$0x600] =	vst v63  }
0x42: {  	_ =	swait.ge [sflag:s9], $0x50  }
0x43: {  	[sflag:s9] =	ssyncset.done $0x0  }
0x44: {  	[sflag:s9] =	ssyncadd.s32 $0xFFFFFFB0  }
0x45: {  	[spmem:s2] =	stream.indirect.scatter.add.f32 [tilespmem:s11], [sflag:$0x1], $0x1, s3, s10, $0xb8;
	[tilespmem:$0x600] =	vst v63  }
0x46: {  	_ =	swait.ge [sflag:s9], $0x50  }
0x47: {  	s18 =	simm.s32 $0x14;
	s17 =	simm.s32 $0xA;
	[sflag:s9] =	ssyncset.done $0x0  }
.LBB2_2:
0x48: {  	s19 =	sadd.s32 s17, s7  }
0x49: {  	[sflag:s9] =	ssyncadd.s32 $0xFFFFFFB0;
	s17 =	smov.u32 s18;
	s20 =	sadd.s32 $0xA, s18  }
0x4a: {  	[tilespmem:s3], [sflag:$0x1] =	stream.linear.gather [hbm4b:s19+s3], $0x50, $0x38;
	[tilespmem:$0x600] =	vst v63  }
0x4b: {  	p0 =	sne.s32 s18, $0x4D8;
	_ =	swait.ge [sflag:s9], $0x50  }
.Ltmp0:
0x4c: {  	[sflag:s9] =	ssyncset.done $0x0;
	(pc) =	sbr.rel @p0 .LBB2_2-.Ltmp0, $4  }
0x4d: {  	[sflag:s9] =	ssyncadd.s32 $0xFFFFFFB0  }
0x4e: {  	[spmem:s2] =	stream.indirect.scatter.add.f32 [tilespmem:s11], [sflag:$0x1], $0x1, s3, s10, $0xb8;
	[tilespmem:$0x600] =	vst v63  }
0x4f: {  	_ =	swait.ge [sflag:s9], $0x50  }
0x50: {  	s18 =	smov.u32 s20;
	[sflag:s9] =	ssyncset.done $0x0  }
0x51: {  	s17 =	sadd.s32 s17, s7;
	[sflag:s9] =	ssyncadd.s32 $0xFFFFFFB0  }
0x52: {  	[tilespmem:s3], [sflag:$0x1] =	stream.linear.gather [hbm4b:s17+s3], $0x50, $0x38;
	[tilespmem:$0x600] =	vst v63  }
0x53: {  	_ =	swait.ge [sflag:s9], $0x50  }
0x54: {  	[sflag:s9] =	ssyncset.done $0x0  }
0x55: {  	[sflag:s9] =	ssyncadd.s32 $0xFFFFFFB0  }
0x56: {  	[spmem:s2] =	stream.indirect.scatter.add.f32 [tilespmem:s11], [sflag:$0x1], $0x1, s3, s10, $0xb8;
	[tilespmem:$0x600] =	vst v63  }
0x57: {  	_ =	swait.ge [sflag:s9], $0x50  }
0x58: {  	s16 =	sadd.s32 $0x1, s16;
	[sflag:s9] =	ssyncset.done $0x0  }
0x59: {  	p0 =	sne.s32 s16, s6;
	[sflag:s9] =	ssyncadd.s32 $0xFFFFFFB0  }
.Ltmp1:
0x5a: {  	[bflag:$0x0] =	sbarrier.arrive $0xFFFF;
	(pc) =	sbr.rel @p0 .LBB2_1-.Ltmp1, $4  }
0x5b: {  	[hbm:s5@s14], [sflag:s12] =	dma.strided [spmem:s13@s15], $0x50, s9, $0x10   }
0x5c: {  	_ =	swait.ge [sflag:s9], $0x50  }
0x5d: {  	[sflag:s9] =	ssyncset.done $0x0  }
0x5e: {  	[sflag:s9] =	ssyncadd.s32 $0xFFFFFFB0  }
0x5f: {  	_ =	sfence.sel $0x180000  }
0x60: {  	[bflag:$0x0] =	sbarrier.arrive $0xFFFF  }
0x61: {  	p0 =	sne.s32 s1, $0x0;
	_ =	strace $0x90000047  }
0x62: {  	s0 =	sadd.s32 @!p0 $0x100000, s0;
	[bflag:$0x2] =	sbarrier.arrive $0xFFFF  }
0x63: {  	[sflag:s0] =	ssyncadd.tile.s32 @!p0 $0x1;
	_ =	shalt  }
.Lfunc_end2:
_tile_overlayer_lowered:
.L_overlay_start_2:
0x64: {  	(tag) =	ssettag $0x2  }
0x65: {  	s0 =	rddreg [dreg:$0x0];
	s2 =	stileid.u32  }
0x66: {  	s1 =	rddreg [dreg:$0x1];
	p0 =	sne.s32 s2, $0x0  }
0x67: {  	s3 =	rddreg [dreg:$0x2];
	[bflag:$0x3] =	sbarrier.arrive $0xFFFF;
	s2 =	simm.s32 @!p0 $0x1C01  }
0x68: {  	[timem:s3], [sflag:s2] =	dma.local @!p0 [hbm:s0], s1  }
0x69: {  	s0 =	simm.s32 @!p0 $0x1  }
0x6a: {  	_ =	swait.ge @!p0 [sflag:s0], s1  }
0x6b: {  	s1 =	ssub.s32 @!p0 $0x0, s1;
	[sflag:s0] =	ssyncset.done @!p0 $0x0  }
0x6c: {  	[sflag:s0] =	ssyncadd.s32 @!p0 s1  }
0x6d: {  	[bflag:$0x3] =	sbarrier.arrive $0xFFFF  }
0x6e: {  	_ =	shalt  }

</sc_bundles>
